<compile_context>
chip_gen: v7x
topology: tpu7x:2x2x1
jax: 0.10.2.dev20260603
libtpu: 0.0.44.dev20260713+nightly
codegen_flags: <defaults>
</compile_context>

<pallas_src>
import functools

import jax
import jax.numpy as jnp
from jax import lax
from jax.experimental import pallas as pl
from jax.experimental.pallas import tpu as pltpu
from jax.experimental.pallas import tpu_sc as plsc

N_TOK = 8192
N_CODE = 8192
D = 256

BM = 1024
BN = 1024
NJ = N_CODE // BN

NC = 2
NS = 16
NW = NC * NS
L = 16




def _make_dist_argmin_body(wb):
    nw = len(wb) - 1

    def body(a2_ref, b2_ref, a_ref, cb_ref, idx_ref):
        a = a_ref[...]
        a2 = a2_ref[...]
        na = -2.0 * a

        inf = jnp.full((BM, 1), jnp.inf, jnp.float32)
        zero = jnp.zeros((BM, 1), jnp.int32)
        carry = [[inf, zero] for _ in range(nw)]
        ii = lax.broadcasted_iota(jnp.int32, (BM, BN), 1)

        for c in range(NJ):
            base = c * BN
            w = max(i for i in range(nw) if wb[i] <= base)
            assert wb[w] <= base and base + BN <= wb[w + 1]
            cb = cb_ref[pl.ds(base, BN), :]
            b2 = b2_ref[pl.ds(base, BN)]
            mmn = lax.dot_general(na, cb, (((1,), (1,)), ((), ())),
                                  preferred_element_type=jnp.float32)
            d2 = (a2 + b2[None, :]) + mmn
            dist = jnp.sqrt(jnp.maximum(d2, 0.0))
            m = jnp.min(dist, axis=1, keepdims=True)
            cand = jnp.where(dist == m, ii, jnp.int32(2**30))
            bi = jnp.min(cand, axis=1, keepdims=True) + base
            mc, ic = carry[w]
            upd = m < mc
            carry[w] = [jnp.where(upd, m, mc), jnp.where(upd, bi, ic)]

        def bf16_round(v):
            return v.astype(jnp.bfloat16).astype(jnp.float32)

        acc_v = bf16_round(carry[0][0])
        acc_i = carry[0][1]
        for w in range(1, nw):
            m, i = carry[w]
            upd = m < acc_v
            acc_v = jnp.where(upd, bf16_round(m), acc_v)
            acc_i = jnp.where(upd, i, acc_i)
        idx_ref[...] = acc_i

    return body


def _argmin(a, cb, a2, b2, wb):
    m = a.shape[0]
    out = pl.pallas_call(
        _make_dist_argmin_body(wb),
        grid=(m // BM,),
        in_specs=[
            pl.BlockSpec((BM, 1), lambda i: (i, 0)),
            pl.BlockSpec((N_CODE,), lambda i: (0,)),
            pl.BlockSpec((BM, D), lambda i: (i, 0)),
            pl.BlockSpec((N_CODE, D), lambda i: (0, 0)),
        ],
        out_specs=pl.BlockSpec((BM, 1), lambda i: (i, 0)),
        out_shape=jax.ShapeDtypeStruct((m, 1), jnp.int32),
    )(a2, b2, a, cb)
    return out.reshape(m)


CH1 = 128


def _sc_gather(table, idx):
    m = idx.shape[0]
    per_w = m // NW
    mesh = plsc.VectorSubcoreMesh(core_axis_name="c", subcore_axis_name="s")

    @functools.partial(
        pl.kernel, mesh=mesh,
        out_type=jax.ShapeDtypeStruct((m, D), jnp.float32),
        scratch_types=[
            pltpu.VMEM((CH1,), jnp.int32),
            pltpu.VMEM((CH1, D), jnp.float32),
            pltpu.SemaphoreType.DMA,
        ],
    )
    def k(tab_hbm, idx_hbm, rows_out, idx_v, rows_v, sem):
        wid = lax.axis_index("s") * NC + lax.axis_index("c")
        base = wid * per_w

        def chunk(ci, _):
            b = base + ci * CH1
            pltpu.sync_copy(idx_hbm.at[pl.ds(b, CH1)], idx_v)
            pltpu.async_copy(tab_hbm.at[idx_v], rows_v, sem).wait()
            pltpu.sync_copy(rows_v, rows_out.at[pl.ds(b, CH1)])
            return 0

        lax.fori_loop(0, per_w // CH1, chunk, 0)

    return k(table, idx)


def kernel(x, codebook, inner_codebook):
    x = x.astype(jnp.float32)
    cb = codebook.astype(jnp.float32)
    icb = inner_codebook.astype(jnp.float32)

    a2 = jnp.sum(x * x, axis=1, keepdims=True)
    b2 = jnp.sum(cb * cb, axis=1)
    indices = _argmin(x, cb, a2, b2, (0, N_CODE))

    z = _sc_gather(cb, indices)
    residual = x - z

    r2 = jnp.sum(residual * residual, axis=1, keepdims=True)
    bi2 = jnp.sum(icb * icb, axis=1)
    inner_indices = _argmin(residual, icb, r2, bi2, (0, 4096, N_CODE))

    inner_z = _sc_gather(icb, inner_indices)
    z_q = x + (z - x)
    inner_z_q = residual + (inner_z - residual)
    out0 = z_q + inner_z_q

    return (out0, z, x, indices, inner_z, residual, inner_indices)

# --- scband reference (transcript-rebuilt; emitter-appended) ---
"""Pipeline reference for scband-residual-vector-quantizer-5488968204712 (READ-ONLY COPY).

The authoritative reference and input builder live on the scoring server;
editing this copy changes nothing except your own understanding.
"""

import jax, jax.numpy as jnp
import numpy as np

NUM_LATENTS = 8192
LATENT_DIM = 256
N_TOKENS = 8192


def _cdist(a, b):
    # torch.cdist(p=2): Euclidean distance matrix, computed in fp32
    a2 = jnp.sum(a * a, axis=1, keepdims=True)
    b2 = jnp.sum(b * b, axis=1)[None, :]
    d2 = a2 + b2 - 2.0 * (a @ b.T)
    return jnp.sqrt(jnp.clip(d2, 0.0, None))


def setup_inputs(seed: int = 0) -> dict:
    key = jax.random.key(seed)
    k1, k2, k3 = jax.random.split(key, 3)
    x = jax.random.normal(k1, (N_TOKENS, LATENT_DIM), dtype=jnp.float32)
    bound = 1.0 / NUM_LATENTS
    codebook = jax.random.uniform(k2, (NUM_LATENTS, LATENT_DIM), minval=-bound, maxval=bound, dtype=jnp.float32)
    inner_codebook = jax.random.uniform(k3, (NUM_LATENTS, LATENT_DIM), minval=-bound, maxval=bound, dtype=jnp.float32)
    return {"x": x, "codebook": codebook, "inner_codebook": inner_codebook}


def reference(x, codebook, inner_codebook):
    sg = jax.lax.stop_gradient
    # outer quantizer
    dist = _cdist(x.astype(jnp.float32), codebook.astype(jnp.float32))
    indices = jnp.argmin(dist, axis=1)
    z = jnp.take(codebook, indices, axis=0)
    residual = x - sg(z)
    # inner quantizer (VectorQuantizer.forward on the residual)
    inner_dist = _cdist(residual.astype(jnp.float32), inner_codebook.astype(jnp.float32))
    inner_indices = jnp.argmin(inner_dist, axis=1)
    inner_z = jnp.take(inner_codebook, inner_indices, axis=0)
    inner_z_q = residual + sg(inner_z - residual)
    # straight-through estimator on the outer stage
    z_q = x + sg(z - x)
    return (z_q + inner_z_q, z, x, indices, inner_z, residual, inner_indices)

if __name__ == "__main__":
    import jax
    _d = setup_inputs()
    print(jax.jit(kernel)(*tuple(_d.values())))

</pallas_src>

<mosaic_0001>
#map = affine_map<(d0, d1) -> (0, 0)>
#map1 = affine_map<(d0, d1) -> (0)>
module attributes {stable_mosaic.version = 14 : i64} {
  func.func @k(%arg0: i32, %arg1: i32, %arg2: memref<8192x256xf32, #tpu.memory_space<hbm>>, %arg3: memref<8192xi32, #tpu.memory_space<hbm>>, %arg4: memref<8192x256xf32, #tpu.memory_space<hbm>>, %arg5: memref<128xi32, #tpu.memory_space<vmem>>, %arg6: memref<128x256xf32, #tpu.memory_space<vmem>>, %arg7: memref<!tpu.dma_semaphore, #tpu.memory_space<semaphore_mem>>) attributes {dimension_semantics = [#tpu.dimension_semantics<core_parallel>, #tpu.dimension_semantics<subcore_parallel>], iteration_bounds = array<i64: 2, 16>, scalar_prefetch = 0 : i64, scratch_operands = 3 : i64, tpu.core_type = #tpu.core_type<sc_vector_subcore>, window_params = [{transform_indices = #map}, {transform_indices = #map1}, {transform_indices = #map}]} {
    %mul3A = arith.constant 2 : i32
    %mul3A_0 = arith.muli %arg1, %mul3A : i32
    %add3A = arith.addi %mul3A_0, %arg0 : i32
    %mul3A_1 = arith.constant 256 : i32
    %mul3A_2 = arith.muli %add3A, %mul3A_1 : i32
    %scan3A = arith.constant 0 : i32
    %scan3A_3 = arith.constant 0 : i32
    %scan3A_4 = arith.constant 2 : i32
    %scan3A_5 = arith.addi %scan3A_3, %scan3A_4 : i32
    %scan3A_6 = arith.constant 1 : i32
    %scan3A_7 = scf.for %scan3A_9 = %scan3A_3 to %scan3A_5 step %scan3A_6 iter_args(%scan3A_10 = %scan3A) -> (i32)  : i32 {
      %mul3A_11 = arith.constant 128 : i32
      %mul3A_12 = arith.muli %scan3A_9, %mul3A_11 : i32
      %add3A_13 = arith.addi %mul3A_2, %mul3A_12 : i32
      "tpu.region"() ({
        %run_scoped3A = tpu.sem_alloc : memref<!tpu.dma_semaphore, #tpu.memory_space<semaphore_mem>>
        %dma_start3A_19 = tpu.memref_slice %arg3[%add3A_13] : memref<8192xi32, #tpu.memory_space<hbm>> -> memref<128xi32, #tpu.memory_space<hbm>>
        %dma_start3A_20 = tpu.memref_slice %arg3[%add3A_13] : memref<8192xi32, #tpu.memory_space<hbm>> -> memref<128xi32, #tpu.memory_space<hbm>>
        tpu.enqueue_dma source(%dma_start3A_20 : memref<128xi32, #tpu.memory_space<hbm>>) target(%arg5 : memref<128xi32, #tpu.memory_space<vmem>>) target_semaphore(%run_scoped3A : memref<!tpu.dma_semaphore, #tpu.memory_space<semaphore_mem>>)
        %dma_wait3A_21 = tpu.memref_slice %arg3[%add3A_13] : memref<8192xi32, #tpu.memory_space<hbm>> -> memref<128xi32, #tpu.memory_space<hbm>>
        %dma_wait3A_22 = tpu.memref_slice %arg3[%add3A_13] : memref<8192xi32, #tpu.memory_space<hbm>> -> memref<128xi32, #tpu.memory_space<hbm>>
        tpu.wait_dma2 semaphore(%run_scoped3A : memref<!tpu.dma_semaphore, #tpu.memory_space<semaphore_mem>>) src(%dma_wait3A_22 : memref<128xi32, #tpu.memory_space<hbm>>) dst(%arg5 : memref<128xi32, #tpu.memory_space<vmem>>)
        tpu.yield
      }) : () -> ()
      %dma_start3A = arith.constant 0 : i32
      %dma_start3A_14 = arith.constant 0 : i32
      %dma_start3A_15 = tpu.memref_slice %arg2[%dma_start3A, %dma_start3A_14] : memref<8192x256xf32, #tpu.memory_space<hbm>> -> memref<8192x256xf32, #tpu.memory_space<hbm>>
      tpu.enqueue_indirect_dma source(%dma_start3A_15 : memref<8192x256xf32, #tpu.memory_space<hbm>>) target(%arg6 : memref<128x256xf32, #tpu.memory_space<vmem>>) offsets(%arg5 : memref<128xi32, #tpu.memory_space<vmem>>) semaphore(%arg7 : memref<!tpu.dma_semaphore, #tpu.memory_space<semaphore_mem>>)
      %dma_wait3A = arith.constant 0 : i32
      %dma_wait3A_16 = arith.constant 0 : i32
      %dma_wait3A_17 = tpu.memref_slice %arg2[%dma_wait3A, %dma_wait3A_16] : memref<8192x256xf32, #tpu.memory_space<hbm>> -> memref<8192x256xf32, #tpu.memory_space<hbm>>
      tpu.wait_indirect_dma semaphore(%arg7 : memref<!tpu.dma_semaphore, #tpu.memory_space<semaphore_mem>>) src(%dma_wait3A_17 : memref<8192x256xf32, #tpu.memory_space<hbm>>) dst(%arg6 : memref<128x256xf32, #tpu.memory_space<vmem>>)
      "tpu.region"() ({
        %run_scoped3A = tpu.sem_alloc : memref<!tpu.dma_semaphore, #tpu.memory_space<semaphore_mem>>
        %dma_start3A_19 = arith.constant 0 : i32
        %dma_start3A_20 = tpu.memref_slice %arg4[%add3A_13, %dma_start3A_19] : memref<8192x256xf32, #tpu.memory_space<hbm>> -> memref<128x256xf32, #tpu.memory_space<hbm>>
        %dma_start3A_21 = arith.constant 0 : i32
        %dma_start3A_22 = tpu.memref_slice %arg4[%add3A_13, %dma_start3A_21] : memref<8192x256xf32, #tpu.memory_space<hbm>> -> memref<128x256xf32, #tpu.memory_space<hbm>>
        tpu.enqueue_dma source(%arg6 : memref<128x256xf32, #tpu.memory_space<vmem>>) target(%dma_start3A_22 : memref<128x256xf32, #tpu.memory_space<hbm>>) target_semaphore(%run_scoped3A : memref<!tpu.dma_semaphore, #tpu.memory_space<semaphore_mem>>)
        %dma_wait3A_23 = arith.constant 0 : i32
        %dma_wait3A_24 = tpu.memref_slice %arg4[%add3A_13, %dma_wait3A_23] : memref<8192x256xf32, #tpu.memory_space<hbm>> -> memref<128x256xf32, #tpu.memory_space<hbm>>
        %dma_wait3A_25 = arith.constant 0 : i32
        %dma_wait3A_26 = tpu.memref_slice %arg4[%add3A_13, %dma_wait3A_25] : memref<8192x256xf32, #tpu.memory_space<hbm>> -> memref<128x256xf32, #tpu.memory_space<hbm>>
        tpu.wait_dma2 semaphore(%run_scoped3A : memref<!tpu.dma_semaphore, #tpu.memory_space<semaphore_mem>>) src(%arg6 : memref<128x256xf32, #tpu.memory_space<vmem>>) dst(%dma_wait3A_26 : memref<128x256xf32, #tpu.memory_space<hbm>>)
        tpu.yield
      }) : () -> ()
      %scan3A_18 = arith.constant 0 : i32
      scf.yield %scan3A_18 : i32
    }
    %scan3A_8 = arith.constant 2 : i32
    return
  }
}

#map = affine_map<(d0, d1) -> (0, 0)>
#map1 = affine_map<(d0, d1) -> (0)>
module attributes {stable_mosaic.version = 14 : i64} {
  func.func @k(%arg0: i32, %arg1: i32, %arg2: memref<8192x256xf32, #tpu.memory_space<hbm>>, %arg3: memref<8192xi32, #tpu.memory_space<hbm>>, %arg4: memref<8192x256xf32, #tpu.memory_space<hbm>>, %arg5: memref<128xi32, #tpu.memory_space<vmem>>, %arg6: memref<128x256xf32, #tpu.memory_space<vmem>>, %arg7: memref<!tpu.dma_semaphore, #tpu.memory_space<semaphore_mem>>) attributes {dimension_semantics = [#tpu.dimension_semantics<core_parallel>, #tpu.dimension_semantics<subcore_parallel>], iteration_bounds = array<i64: 2, 16>, scalar_prefetch = 0 : i64, scratch_operands = 3 : i64, tpu.core_type = #tpu.core_type<sc_vector_subcore>, window_params = [{transform_indices = #map}, {transform_indices = #map1}, {transform_indices = #map}]} {
    %mul3A = arith.constant 2 : i32
    %mul3A_0 = arith.muli %arg1, %mul3A : i32
    %add3A = arith.addi %mul3A_0, %arg0 : i32
    %mul3A_1 = arith.constant 256 : i32
    %mul3A_2 = arith.muli %add3A, %mul3A_1 : i32
    %scan3A = arith.constant 0 : i32
    %scan3A_3 = arith.constant 0 : i32
    %scan3A_4 = arith.constant 2 : i32
    %scan3A_5 = arith.addi %scan3A_3, %scan3A_4 : i32
    %scan3A_6 = arith.constant 1 : i32
    %scan3A_7 = scf.for %scan3A_9 = %scan3A_3 to %scan3A_5 step %scan3A_6 iter_args(%scan3A_10 = %scan3A) -> (i32)  : i32 {
      %mul3A_11 = arith.constant 128 : i32
      %mul3A_12 = arith.muli %scan3A_9, %mul3A_11 : i32
      %add3A_13 = arith.addi %mul3A_2, %mul3A_12 : i32
      "tpu.region"() ({
        %run_scoped3A = tpu.sem_alloc : memref<!tpu.dma_semaphore, #tpu.memory_space<semaphore_mem>>
        %dma_start3A_19 = tpu.memref_slice %arg3[%add3A_13] : memref<8192xi32, #tpu.memory_space<hbm>> -> memref<128xi32, #tpu.memory_space<hbm>>
        %dma_start3A_20 = tpu.memref_slice %arg3[%add3A_13] : memref<8192xi32, #tpu.memory_space<hbm>> -> memref<128xi32, #tpu.memory_space<hbm>>
        tpu.enqueue_dma source(%dma_start3A_20 : memref<128xi32, #tpu.memory_space<hbm>>) target(%arg5 : memref<128xi32, #tpu.memory_space<vmem>>) target_semaphore(%run_scoped3A : memref<!tpu.dma_semaphore, #tpu.memory_space<semaphore_mem>>)
        %dma_wait3A_21 = tpu.memref_slice %arg3[%add3A_13] : memref<8192xi32, #tpu.memory_space<hbm>> -> memref<128xi32, #tpu.memory_space<hbm>>
        %dma_wait3A_22 = tpu.memref_slice %arg3[%add3A_13] : memref<8192xi32, #tpu.memory_space<hbm>> -> memref<128xi32, #tpu.memory_space<hbm>>
        tpu.wait_dma2 semaphore(%run_scoped3A : memref<!tpu.dma_semaphore, #tpu.memory_space<semaphore_mem>>) src(%dma_wait3A_22 : memref<128xi32, #tpu.memory_space<hbm>>) dst(%arg5 : memref<128xi32, #tpu.memory_space<vmem>>)
        tpu.yield
      }) : () -> ()
      %dma_start3A = arith.constant 0 : i32
      %dma_start3A_14 = arith.constant 0 : i32
      %dma_start3A_15 = tpu.memref_slice %arg2[%dma_start3A, %dma_start3A_14] : memref<8192x256xf32, #tpu.memory_space<hbm>> -> memref<8192x256xf32, #tpu.memory_space<hbm>>
      tpu.enqueue_indirect_dma source(%dma_start3A_15 : memref<8192x256xf32, #tpu.memory_space<hbm>>) target(%arg6 : memref<128x256xf32, #tpu.memory_space<vmem>>) offsets(%arg5 : memref<128xi32, #tpu.memory_space<vmem>>) semaphore(%arg7 : memref<!tpu.dma_semaphore, #tpu.memory_space<semaphore_mem>>)
      %dma_wait3A = arith.constant 0 : i32
      %dma_wait3A_16 = arith.constant 0 : i32
      %dma_wait3A_17 = tpu.memref_slice %arg2[%dma_wait3A, %dma_wait3A_16] : memref<8192x256xf32, #tpu.memory_space<hbm>> -> memref<8192x256xf32, #tpu.memory_space<hbm>>
      tpu.wait_indirect_dma semaphore(%arg7 : memref<!tpu.dma_semaphore, #tpu.memory_space<semaphore_mem>>) src(%dma_wait3A_17 : memref<8192x256xf32, #tpu.memory_space<hbm>>) dst(%arg6 : memref<128x256xf32, #tpu.memory_space<vmem>>)
      "tpu.region"() ({
        %run_scoped3A = tpu.sem_alloc : memref<!tpu.dma_semaphore, #tpu.memory_space<semaphore_mem>>
        %dma_start3A_19 = arith.constant 0 : i32
        %dma_start3A_20 = tpu.memref_slice %arg4[%add3A_13, %dma_start3A_19] : memref<8192x256xf32, #tpu.memory_space<hbm>> -> memref<128x256xf32, #tpu.memory_space<hbm>>
        %dma_start3A_21 = arith.constant 0 : i32
        %dma_start3A_22 = tpu.memref_slice %arg4[%add3A_13, %dma_start3A_21] : memref<8192x256xf32, #tpu.memory_space<hbm>> -> memref<128x256xf32, #tpu.memory_space<hbm>>
        tpu.enqueue_dma source(%arg6 : memref<128x256xf32, #tpu.memory_space<vmem>>) target(%dma_start3A_22 : memref<128x256xf32, #tpu.memory_space<hbm>>) target_semaphore(%run_scoped3A : memref<!tpu.dma_semaphore, #tpu.memory_space<semaphore_mem>>)
        %dma_wait3A_23 = arith.constant 0 : i32
        %dma_wait3A_24 = tpu.memref_slice %arg4[%add3A_13, %dma_wait3A_23] : memref<8192x256xf32, #tpu.memory_space<hbm>> -> memref<128x256xf32, #tpu.memory_space<hbm>>
        %dma_wait3A_25 = arith.constant 0 : i32
        %dma_wait3A_26 = tpu.memref_slice %arg4[%add3A_13, %dma_wait3A_25] : memref<8192x256xf32, #tpu.memory_space<hbm>> -> memref<128x256xf32, #tpu.memory_space<hbm>>
        tpu.wait_dma2 semaphore(%run_scoped3A : memref<!tpu.dma_semaphore, #tpu.memory_space<semaphore_mem>>) src(%arg6 : memref<128x256xf32, #tpu.memory_space<vmem>>) dst(%dma_wait3A_26 : memref<128x256xf32, #tpu.memory_space<hbm>>)
        tpu.yield
      }) : () -> ()
      %scan3A_18 = arith.constant 0 : i32
      scf.yield %scan3A_18 : i32
    }
    %scan3A_8 = arith.constant 2 : i32
    return
  }
}

module attributes {stable_mosaic.version = 14 : i64} {
  func.func @body(%arg0: i32, %arg1: memref<1024x1xf32, #tpu.memory_space<vmem>>, %arg2: memref<8192xf32, #tpu.memory_space<vmem>>, %arg3: memref<1024x256xf32, #tpu.memory_space<vmem>>, %arg4: memref<8192x256xf32, #tpu.memory_space<vmem>>, %arg5: memref<1024x1xi32, #tpu.memory_space<vmem>>) attributes {dimension_semantics = [#tpu.dimension_semantics<arbitrary>], iteration_bounds = array<i64: 8>, scalar_prefetch = 0 : i64, scratch_operands = 0 : i64, tpu.core_type = #tpu.core_type<tc>, window_params = [{transform_indices = @transform_0, window_bounds = array<i64: 1024, 1>}, {pipeline_mode = #tpu.pipeline_mode<synchronous>, transform_indices = @transform_1, window_bounds = array<i64: 8192>}, {transform_indices = @transform_2, window_bounds = array<i64: 1024, 256>}, {pipeline_mode = #tpu.pipeline_mode<synchronous>, transform_indices = @transform_3, window_bounds = array<i64: 8192, 256>}, {transform_indices = @transform_4, window_bounds = array<i64: 1024, 1>}]} {
    %get3A = arith.constant 0 : index
    %get3A_0 = arith.constant 0 : index
    %get3A_1 = vector.load %arg3[%get3A, %get3A_0] : memref<1024x256xf32, #tpu.memory_space<vmem>>, vector<1024x256xf32>
    %get3A_2 = arith.constant 0 : index
    %get3A_3 = arith.constant 0 : index
    %get3A_4 = vector.load %arg1[%get3A_2, %get3A_3] : memref<1024x1xf32, #tpu.memory_space<vmem>>, vector<1024x1xf32>
    %mul3A = arith.constant -2.000000e+00 : f32
    %mul3A_5 = vector.broadcast %mul3A : f32 to vector<1024x256xf32>
    %mul3A_6 = arith.mulf %mul3A_5, %get3A_1 : vector<1024x256xf32>
    %broadcast_in_dim3A = arith.constant 0x7F800000 : f32
    %broadcast_in_dim3A_7 = vector.broadcast %broadcast_in_dim3A : f32 to vector<1024x1xf32>
    %broadcast_in_dim3A_8 = arith.constant 0 : i32
    %broadcast_in_dim3A_9 = vector.broadcast %broadcast_in_dim3A_8 : i32 to vector<1024x1xi32>
    %iota3A = tpu.iota {dimensions = array<i32: 1>} : vector<1024x1024xi32>
    %get3A_10 = arith.constant 0 : index
    %get3A_11 = arith.constant 0 : index
    %get3A_12 = vector.load %arg4[%get3A_10, %get3A_11] : memref<8192x256xf32, #tpu.memory_space<vmem>>, vector<1024x256xf32>
    %get3A_13 = arith.constant 0 : index
    %get3A_14 = vector.load %arg2[%get3A_13] : memref<8192xf32, #tpu.memory_space<vmem>>, vector<1024xf32>
    %dot_general3A = arith.constant dense<0.000000e+00> : vector<1024x1024xf32>
    %dot_general3A_15 = tpu.matmul %mul3A_6, %get3A_12, %dot_general3A {dimension_numbers = #tpu.dot_dimension_numbers<[1], [1], [0], [0], [0, 0, 1, 0], [], []>, transpose_lhs_hint = false} : vector<1024x256xf32>, vector<1024x256xf32>, vector<1024x1024xf32> -> vector<1024x1024xf32>
    %broadcast_in_dim3A_16 = vector.shape_cast %get3A_14 : vector<1024xf32> to vector<1x1024xf32>
    %add3A = vector.broadcast %get3A_4 : vector<1024x1xf32> to vector<1024x1024xf32>
    %add3A_17 = vector.broadcast %broadcast_in_dim3A_16 : vector<1x1024xf32> to vector<1024x1024xf32>
    %add3A_18 = arith.addf %add3A, %add3A_17 : vector<1024x1024xf32>
    %add3A_19 = arith.addf %add3A_18, %dot_general3A_15 : vector<1024x1024xf32>
    %max3A = arith.constant 0.000000e+00 : f32
    %max3A_20 = vector.broadcast %max3A : f32 to vector<1024x1024xf32>
    %max3A_21 = arith.maximumf %add3A_19, %max3A_20 : vector<1024x1024xf32>
    %sqrt3A = math.sqrt %max3A_21 : vector<1024x1024xf32>
    %reduce_min3A = arith.constant dense<0x7F800000> : vector<1024xf32>
    %reduce_min3A_22 = vector.multi_reduction <minimumf>, %sqrt3A, %reduce_min3A [1] : vector<1024x1024xf32> to vector<1024xf32>
    %broadcast_in_dim3A_23 = vector.shape_cast %reduce_min3A_22 : vector<1024xf32> to vector<1024x1xf32>
    %eq3A = vector.broadcast %broadcast_in_dim3A_23 : vector<1024x1xf32> to vector<1024x1024xf32>
    %eq3A_24 = arith.cmpf oeq, %sqrt3A, %eq3A : vector<1024x1024xf32>
    %jit3A = arith.constant 1073741824 : i32
    %broadcast_in_dim3A_25 = vector.broadcast %jit3A : i32 to vector<1024x1024xi32>
    %select_n3A = arith.select %eq3A_24, %iota3A, %broadcast_in_dim3A_25 : vector<1024x1024xi1>, vector<1024x1024xi32>
    %reduce_min3A_26 = arith.constant dense<2147483647> : vector<1024xi32>
    %reduce_min3A_27 = vector.multi_reduction <minsi>, %select_n3A, %reduce_min3A_26 [1] : vector<1024x1024xi32> to vector<1024xi32>
    %broadcast_in_dim3A_28 = vector.shape_cast %reduce_min3A_27 : vector<1024xi32> to vector<1024x1xi32>
    %add3A_29 = arith.constant 0 : i32
    %add3A_30 = vector.broadcast %add3A_29 : i32 to vector<1024x1xi32>
    %add3A_31 = arith.addi %broadcast_in_dim3A_28, %add3A_30 : vector<1024x1xi32>
    %lt3A = arith.cmpf olt, %broadcast_in_dim3A_23, %broadcast_in_dim3A_7 : vector<1024x1xf32>
    %select_n3A_32 = arith.select %lt3A, %broadcast_in_dim3A_23, %broadcast_in_dim3A_7 : vector<1024x1xi1>, vector<1024x1xf32>
    %select_n3A_33 = arith.select %lt3A, %add3A_31, %broadcast_in_dim3A_9 : vector<1024x1xi1>, vector<1024x1xi32>
    %get3A_34 = arith.constant 1024 : index
    %get3A_35 = arith.constant 0 : index
    %get3A_36 = vector.load %arg4[%get3A_34, %get3A_35] : memref<8192x256xf32, #tpu.memory_space<vmem>>, vector<1024x256xf32>
    %get3A_37 = arith.constant 1024 : index
    %get3A_38 = vector.load %arg2[%get3A_37] : memref<8192xf32, #tpu.memory_space<vmem>>, vector<1024xf32>
    %dot_general3A_39 = arith.constant dense<0.000000e+00> : vector<1024x1024xf32>
    %dot_general3A_40 = tpu.matmul %mul3A_6, %get3A_36, %dot_general3A_39 {dimension_numbers = #tpu.dot_dimension_numbers<[1], [1], [0], [0], [0, 0, 1, 0], [], []>, transpose_lhs_hint = false} : vector<1024x256xf32>, vector<1024x256xf32>, vector<1024x1024xf32> -> vector<1024x1024xf32>
    %broadcast_in_dim3A_41 = vector.shape_cast %get3A_38 : vector<1024xf32> to vector<1x1024xf32>
    %add3A_42 = vector.broadcast %get3A_4 : vector<1024x1xf32> to vector<1024x1024xf32>
    %add3A_43 = vector.broadcast %broadcast_in_dim3A_41 : vector<1x1024xf32> to vector<1024x1024xf32>
    %add3A_44 = arith.addf %add3A_42, %add3A_43 : vector<1024x1024xf32>
    %add3A_45 = arith.addf %add3A_44, %dot_general3A_40 : vector<1024x1024xf32>
    %max3A_46 = arith.constant 0.000000e+00 : f32
    %max3A_47 = vector.broadcast %max3A_46 : f32 to vector<1024x1024xf32>
    %max3A_48 = arith.maximumf %add3A_45, %max3A_47 : vector<1024x1024xf32>
    %sqrt3A_49 = math.sqrt %max3A_48 : vector<1024x1024xf32>
    %reduce_min3A_50 = arith.constant dense<0x7F800000> : vector<1024xf32>
    %reduce_min3A_51 = vector.multi_reduction <minimumf>, %sqrt3A_49, %reduce_min3A_50 [1] : vector<1024x1024xf32> to vector<1024xf32>
    %broadcast_in_dim3A_52 = vector.shape_cast %reduce_min3A_51 : vector<1024xf32> to vector<1024x1xf32>
    %eq3A_53 = vector.broadcast %broadcast_in_dim3A_52 : vector<1024x1xf32> to vector<1024x1024xf32>
    %eq3A_54 = arith.cmpf oeq, %sqrt3A_49, %eq3A_53 : vector<1024x1024xf32>
    %jit3A_55 = arith.constant 1073741824 : i32
    %broadcast_in_dim3A_56 = vector.broadcast %jit3A_55 : i32 to vector<1024x1024xi32>
    %select_n3A_57 = arith.select %eq3A_54, %iota3A, %broadcast_in_dim3A_56 : vector<1024x1024xi1>, vector<1024x1024xi32>
    %reduce_min3A_58 = arith.constant dense<2147483647> : vector<1024xi32>
    %reduce_min3A_59 = vector.multi_reduction <minsi>, %select_n3A_57, %reduce_min3A_58 [1] : vector<1024x1024xi32> to vector<1024xi32>
    %broadcast_in_dim3A_60 = vector.shape_cast %reduce_min3A_59 : vector<1024xi32> to vector<1024x1xi32>
    %add3A_61 = arith.constant 1024 : i32
    %add3A_62 = vector.broadcast %add3A_61 : i32 to vector<1024x1xi32>
    %add3A_63 = arith.addi %broadcast_in_dim3A_60, %add3A_62 : vector<1024x1xi32>
    %lt3A_64 = arith.cmpf olt, %broadcast_in_dim3A_52, %select_n3A_32 : vector<1024x1xf32>
    %select_n3A_65 = arith.select %lt3A_64, %broadcast_in_dim3A_52, %select_n3A_32 : vector<1024x1xi1>, vector<1024x1xf32>
    %select_n3A_66 = arith.select %lt3A_64, %add3A_63, %select_n3A_33 : vector<1024x1xi1>, vector<1024x1xi32>
    %get3A_67 = arith.constant 2048 : index
    %get3A_68 = arith.constant 0 : index
    %get3A_69 = vector.load %arg4[%get3A_67, %get3A_68] : memref<8192x256xf32, #tpu.memory_space<vmem>>, vector<1024x256xf32>
    %get3A_70 = arith.constant 2048 : index
    %get3A_71 = vector.load %arg2[%get3A_70] : memref<8192xf32, #tpu.memory_space<vmem>>, vector<1024xf32>
    %dot_general3A_72 = arith.constant dense<0.000000e+00> : vector<1024x1024xf32>
    %dot_general3A_73 = tpu.matmul %mul3A_6, %get3A_69, %dot_general3A_72 {dimension_numbers = #tpu.dot_dimension_numbers<[1], [1], [0], [0], [0, 0, 1, 0], [], []>, transpose_lhs_hint = false} : vector<1024x256xf32>, vector<1024x256xf32>, vector<1024x1024xf32> -> vector<1024x1024xf32>
    %broadcast_in_dim3A_74 = vector.shape_cast %get3A_71 : vector<1024xf32> to vector<1x1024xf32>
    %add3A_75 = vector.broadcast %get3A_4 : vector<1024x1xf32> to vector<1024x1024xf32>
    %add3A_76 = vector.broadcast %broadcast_in_dim3A_74 : vector<1x1024xf32> to vector<1024x1024xf32>
    %add3A_77 = arith.addf %add3A_75, %add3A_76 : vector<1024x1024xf32>
    %add3A_78 = arith.addf %add3A_77, %dot_general3A_73 : vector<1024x1024xf32>
    %max3A_79 = arith.constant 0.000000e+00 : f32
    %max3A_80 = vector.broadcast %max3A_79 : f32 to vector<1024x1024xf32>
    %max3A_81 = arith.maximumf %add3A_78, %max3A_80 : vector<1024x1024xf32>
    %sqrt3A_82 = math.sqrt %max3A_81 : vector<1024x1024xf32>
    %reduce_min3A_83 = arith.constant dense<0x7F800000> : vector<1024xf32>
    %reduce_min3A_84 = vector.multi_reduction <minimumf>, %sqrt3A_82, %reduce_min3A_83 [1] : vector<1024x1024xf32> to vector<1024xf32>
    %broadcast_in_dim3A_85 = vector.shape_cast %reduce_min3A_84 : vector<1024xf32> to vector<1024x1xf32>
    %eq3A_86 = vector.broadcast %broadcast_in_dim3A_85 : vector<1024x1xf32> to vector<1024x1024xf32>
    %eq3A_87 = arith.cmpf oeq, %sqrt3A_82, %eq3A_86 : vector<1024x1024xf32>
    %jit3A_88 = arith.constant 1073741824 : i32
    %broadcast_in_dim3A_89 = vector.broadcast %jit3A_88 : i32 to vector<1024x1024xi32>
    %select_n3A_90 = arith.select %eq3A_87, %iota3A, %broadcast_in_dim3A_89 : vector<1024x1024xi1>, vector<1024x1024xi32>
    %reduce_min3A_91 = arith.constant dense<2147483647> : vector<1024xi32>
    %reduce_min3A_92 = vector.multi_reduction <minsi>, %select_n3A_90, %reduce_min3A_91 [1] : vector<1024x1024xi32> to vector<1024xi32>
    %broadcast_in_dim3A_93 = vector.shape_cast %reduce_min3A_92 : vector<1024xi32> to vector<1024x1xi32>
    %add3A_94 = arith.constant 2048 : i32
    %add3A_95 = vector.broadcast %add3A_94 : i32 to vector<1024x1xi32>
    %add3A_96 = arith.addi %broadcast_in_dim3A_93, %add3A_95 : vector<1024x1xi32>
    %lt3A_97 = arith.cmpf olt, %broadcast_in_dim3A_85, %select_n3A_65 : vector<1024x1xf32>
    %select_n3A_98 = arith.select %lt3A_97, %broadcast_in_dim3A_85, %select_n3A_65 : vector<1024x1xi1>, vector<1024x1xf32>
    %select_n3A_99 = arith.select %lt3A_97, %add3A_96, %select_n3A_66 : vector<1024x1xi1>, vector<1024x1xi32>
    %get3A_100 = arith.constant 3072 : index
    %get3A_101 = arith.constant 0 : index
    %get3A_102 = vector.load %arg4[%get3A_100, %get3A_101] : memref<8192x256xf32, #tpu.memory_space<vmem>>, vector<1024x256xf32>
    %get3A_103 = arith.constant 3072 : index
    %get3A_104 = vector.load %arg2[%get3A_103] : memref<8192xf32, #tpu.memory_space<vmem>>, vector<1024xf32>
    %dot_general3A_105 = arith.constant dense<0.000000e+00> : vector<1024x1024xf32>
    %dot_general3A_106 = tpu.matmul %mul3A_6, %get3A_102, %dot_general3A_105 {dimension_numbers = #tpu.dot_dimension_numbers<[1], [1], [0], [0], [0, 0, 1, 0], [], []>, transpose_lhs_hint = false} : vector<1024x256xf32>, vector<1024x256xf32>, vector<1024x1024xf32> -> vector<1024x1024xf32>
    %broadcast_in_dim3A_107 = vector.shape_cast %get3A_104 : vector<1024xf32> to vector<1x1024xf32>
    %add3A_108 = vector.broadcast %get3A_4 : vector<1024x1xf32> to vector<1024x1024xf32>
    %add3A_109 = vector.broadcast %broadcast_in_dim3A_107 : vector<1x1024xf32> to vector<1024x1024xf32>
    %add3A_110 = arith.addf %add3A_108, %add3A_109 : vector<1024x1024xf32>
    %add3A_111 = arith.addf %add3A_110, %dot_general3A_106 : vector<1024x1024xf32>
    %max3A_112 = arith.constant 0.000000e+00 : f32
    %max3A_113 = vector.broadcast %max3A_112 : f32 to vector<1024x1024xf32>
    %max3A_114 = arith.maximumf %add3A_111, %max3A_113 : vector<1024x1024xf32>
    %sqrt3A_115 = math.sqrt %max3A_114 : vector<1024x1024xf32>
    %reduce_min3A_116 = arith.constant dense<0x7F800000> : vector<1024xf32>
    %reduce_min3A_117 = vector.multi_reduction <minimumf>, %sqrt3A_115, %reduce_min3A_116 [1] : vector<1024x1024xf32> to vector<1024xf32>
    %broadcast_in_dim3A_118 = vector.shape_cast %reduce_min3A_117 : vector<1024xf32> to vector<1024x1xf32>
    %eq3A_119 = vector.broadcast %broadcast_in_dim3A_118 : vector<1024x1xf32> to vector<1024x1024xf32>
    %eq3A_120 = arith.cmpf oeq, %sqrt3A_115, %eq3A_119 : vector<1024x1024xf32>
    %jit3A_121 = arith.constant 1073741824 : i32
    %broadcast_in_dim3A_122 = vector.broadcast %jit3A_121 : i32 to vector<1024x1024xi32>
    %select_n3A_123 = arith.select %eq3A_120, %iota3A, %broadcast_in_dim3A_122 : vector<1024x1024xi1>, vector<1024x1024xi32>
    %reduce_min3A_124 = arith.constant dense<2147483647> : vector<1024xi32>
    %reduce_min3A_125 = vector.multi_reduction <minsi>, %select_n3A_123, %reduce_min3A_124 [1] : vector<1024x1024xi32> to vector<1024xi32>
    %broadcast_in_dim3A_126 = vector.shape_cast %reduce_min3A_125 : vector<1024xi32> to vector<1024x1xi32>
    %add3A_127 = arith.constant 3072 : i32
    %add3A_128 = vector.broadcast %add3A_127 : i32 to vector<1024x1xi32>
    %add3A_129 = arith.addi %broadcast_in_dim3A_126, %add3A_128 : vector<1024x1xi32>
    %lt3A_130 = arith.cmpf olt, %broadcast_in_dim3A_118, %select_n3A_98 : vector<1024x1xf32>
    %select_n3A_131 = arith.select %lt3A_130, %broadcast_in_dim3A_118, %select_n3A_98 : vector<1024x1xi1>, vector<1024x1xf32>
    %select_n3A_132 = arith.select %lt3A_130, %add3A_129, %select_n3A_99 : vector<1024x1xi1>, vector<1024x1xi32>
    %get3A_133 = arith.constant 4096 : index
    %get3A_134 = arith.constant 0 : index
    %get3A_135 = vector.load %arg4[%get3A_133, %get3A_134] : memref<8192x256xf32, #tpu.memory_space<vmem>>, vector<1024x256xf32>
    %get3A_136 = arith.constant 4096 : index
    %get3A_137 = vector.load %arg2[%get3A_136] : memref<8192xf32, #tpu.memory_space<vmem>>, vector<1024xf32>
    %dot_general3A_138 = arith.constant dense<0.000000e+00> : vector<1024x1024xf32>
    %dot_general3A_139 = tpu.matmul %mul3A_6, %get3A_135, %dot_general3A_138 {dimension_numbers = #tpu.dot_dimension_numbers<[1], [1], [0], [0], [0, 0, 1, 0], [], []>, transpose_lhs_hint = false} : vector<1024x256xf32>, vector<1024x256xf32>, vector<1024x1024xf32> -> vector<1024x1024xf32>
    %broadcast_in_dim3A_140 = vector.shape_cast %get3A_137 : vector<1024xf32> to vector<1x1024xf32>
    %add3A_141 = vector.broadcast %get3A_4 : vector<1024x1xf32> to vector<1024x1024xf32>
    %add3A_142 = vector.broadcast %broadcast_in_dim3A_140 : vector<1x1024xf32> to vector<1024x1024xf32>
    %add3A_143 = arith.addf %add3A_141, %add3A_142 : vector<1024x1024xf32>
    %add3A_144 = arith.addf %add3A_143, %dot_general3A_139 : vector<1024x1024xf32>
    %max3A_145 = arith.constant 0.000000e+00 : f32
    %max3A_146 = vector.broadcast %max3A_145 : f32 to vector<1024x1024xf32>
    %max3A_147 = arith.maximumf %add3A_144, %max3A_146 : vector<1024x1024xf32>
    %sqrt3A_148 = math.sqrt %max3A_147 : vector<1024x1024xf32>
    %reduce_min3A_149 = arith.constant dense<0x7F800000> : vector<1024xf32>
    %reduce_min3A_150 = vector.multi_reduction <minimumf>, %sqrt3A_148, %reduce_min3A_149 [1] : vector<1024x1024xf32> to vector<1024xf32>
    %broadcast_in_dim3A_151 = vector.shape_cast %reduce_min3A_150 : vector<1024xf32> to vector<1024x1xf32>
    %eq3A_152 = vector.broadcast %broadcast_in_dim3A_151 : vector<1024x1xf32> to vector<1024x1024xf32>
    %eq3A_153 = arith.cmpf oeq, %sqrt3A_148, %eq3A_152 : vector<1024x1024xf32>
    %jit3A_154 = arith.constant 1073741824 : i32
    %broadcast_in_dim3A_155 = vector.broadcast %jit3A_154 : i32 to vector<1024x1024xi32>
    %select_n3A_156 = arith.select %eq3A_153, %iota3A, %broadcast_in_dim3A_155 : vector<1024x1024xi1>, vector<1024x1024xi32>
    %reduce_min3A_157 = arith.constant dense<2147483647> : vector<1024xi32>
    %reduce_min3A_158 = vector.multi_reduction <minsi>, %select_n3A_156, %reduce_min3A_157 [1] : vector<1024x1024xi32> to vector<1024xi32>
    %broadcast_in_dim3A_159 = vector.shape_cast %reduce_min3A_158 : vector<1024xi32> to vector<1024x1xi32>
    %add3A_160 = arith.constant 4096 : i32
    %add3A_161 = vector.broadcast %add3A_160 : i32 to vector<1024x1xi32>
    %add3A_162 = arith.addi %broadcast_in_dim3A_159, %add3A_161 : vector<1024x1xi32>
    %lt3A_163 = arith.cmpf olt, %broadcast_in_dim3A_151, %select_n3A_131 : vector<1024x1xf32>
    %select_n3A_164 = arith.select %lt3A_163, %broadcast_in_dim3A_151, %select_n3A_131 : vector<1024x1xi1>, vector<1024x1xf32>
    %select_n3A_165 = arith.select %lt3A_163, %add3A_162, %select_n3A_132 : vector<1024x1xi1>, vector<1024x1xi32>
    %get3A_166 = arith.constant 5120 : index
    %get3A_167 = arith.constant 0 : index
    %get3A_168 = vector.load %arg4[%get3A_166, %get3A_167] : memref<8192x256xf32, #tpu.memory_space<vmem>>, vector<1024x256xf32>
    %get3A_169 = arith.constant 5120 : index
    %get3A_170 = vector.load %arg2[%get3A_169] : memref<8192xf32, #tpu.memory_space<vmem>>, vector<1024xf32>
    %dot_general3A_171 = arith.constant dense<0.000000e+00> : vector<1024x1024xf32>
    %dot_general3A_172 = tpu.matmul %mul3A_6, %get3A_168, %dot_general3A_171 {dimension_numbers = #tpu.dot_dimension_numbers<[1], [1], [0], [0], [0, 0, 1, 0], [], []>, transpose_lhs_hint = false} : vector<1024x256xf32>, vector<1024x256xf32>, vector<1024x1024xf32> -> vector<1024x1024xf32>
    %broadcast_in_dim3A_173 = vector.shape_cast %get3A_170 : vector<1024xf32> to vector<1x1024xf32>
    %add3A_174 = vector.broadcast %get3A_4 : vector<1024x1xf32> to vector<1024x1024xf32>
    %add3A_175 = vector.broadcast %broadcast_in_dim3A_173 : vector<1x1024xf32> to vector<1024x1024xf32>
    %add3A_176 = arith.addf %add3A_174, %add3A_175 : vector<1024x1024xf32>
    %add3A_177 = arith.addf %add3A_176, %dot_general3A_172 : vector<1024x1024xf32>
    %max3A_178 = arith.constant 0.000000e+00 : f32
    %max3A_179 = vector.broadcast %max3A_178 : f32 to vector<1024x1024xf32>
    %max3A_180 = arith.maximumf %add3A_177, %max3A_179 : vector<1024x1024xf32>
    %sqrt3A_181 = math.sqrt %max3A_180 : vector<1024x1024xf32>
    %reduce_min3A_182 = arith.constant dense<0x7F800000> : vector<1024xf32>
    %reduce_min3A_183 = vector.multi_reduction <minimumf>, %sqrt3A_181, %reduce_min3A_182 [1] : vector<1024x1024xf32> to vector<1024xf32>
    %broadcast_in_dim3A_184 = vector.shape_cast %reduce_min3A_183 : vector<1024xf32> to vector<1024x1xf32>
    %eq3A_185 = vector.broadcast %broadcast_in_dim3A_184 : vector<1024x1xf32> to vector<1024x1024xf32>
    %eq3A_186 = arith.cmpf oeq, %sqrt3A_181, %eq3A_185 : vector<1024x1024xf32>
    %jit3A_187 = arith.constant 1073741824 : i32
    %broadcast_in_dim3A_188 = vector.broadcast %jit3A_187 : i32 to vector<1024x1024xi32>
    %select_n3A_189 = arith.select %eq3A_186, %iota3A, %broadcast_in_dim3A_188 : vector<1024x1024xi1>, vector<1024x1024xi32>
    %reduce_min3A_190 = arith.constant dense<2147483647> : vector<1024xi32>
    %reduce_min3A_191 = vector.multi_reduction <minsi>, %select_n3A_189, %reduce_min3A_190 [1] : vector<1024x1024xi32> to vector<1024xi32>
    %broadcast_in_dim3A_192 = vector.shape_cast %reduce_min3A_191 : vector<1024xi32> to vector<1024x1xi32>
    %add3A_193 = arith.constant 5120 : i32
    %add3A_194 = vector.broadcast %add3A_193 : i32 to vector<1024x1xi32>
    %add3A_195 = arith.addi %broadcast_in_dim3A_192, %add3A_194 : vector<1024x1xi32>
    %lt3A_196 = arith.cmpf olt, %broadcast_in_dim3A_184, %select_n3A_164 : vector<1024x1xf32>
    %select_n3A_197 = arith.select %lt3A_196, %broadcast_in_dim3A_184, %select_n3A_164 : vector<1024x1xi1>, vector<1024x1xf32>
    %select_n3A_198 = arith.select %lt3A_196, %add3A_195, %select_n3A_165 : vector<1024x1xi1>, vector<1024x1xi32>
    %get3A_199 = arith.constant 6144 : index
    %get3A_200 = arith.constant 0 : index
    %get3A_201 = vector.load %arg4[%get3A_199, %get3A_200] : memref<8192x256xf32, #tpu.memory_space<vmem>>, vector<1024x256xf32>
    %get3A_202 = arith.constant 6144 : index
    %get3A_203 = vector.load %arg2[%get3A_202] : memref<8192xf32, #tpu.memory_space<vmem>>, vector<1024xf32>
    %dot_general3A_204 = arith.constant dense<0.000000e+00> : vector<1024x1024xf32>
    %dot_general3A_205 = tpu.matmul %mul3A_6, %get3A_201, %dot_general3A_204 {dimension_numbers = #tpu.dot_dimension_numbers<[1], [1], [0], [0], [0, 0, 1, 0], [], []>, transpose_lhs_hint = false} : vector<1024x256xf32>, vector<1024x256xf32>, vector<1024x1024xf32> -> vector<1024x1024xf32>
    %broadcast_in_dim3A_206 = vector.shape_cast %get3A_203 : vector<1024xf32> to vector<1x1024xf32>
    %add3A_207 = vector.broadcast %get3A_4 : vector<1024x1xf32> to vector<1024x1024xf32>
    %add3A_208 = vector.broadcast %broadcast_in_dim3A_206 : vector<1x1024xf32> to vector<1024x1024xf32>
    %add3A_209 = arith.addf %add3A_207, %add3A_208 : vector<1024x1024xf32>
    %add3A_210 = arith.addf %add3A_209, %dot_general3A_205 : vector<1024x1024xf32>
    %max3A_211 = arith.constant 0.000000e+00 : f32
    %max3A_212 = vector.broadcast %max3A_211 : f32 to vector<1024x1024xf32>
    %max3A_213 = arith.maximumf %add3A_210, %max3A_212 : vector<1024x1024xf32>
    %sqrt3A_214 = math.sqrt %max3A_213 : vector<1024x1024xf32>
    %reduce_min3A_215 = arith.constant dense<0x7F800000> : vector<1024xf32>
    %reduce_min3A_216 = vector.multi_reduction <minimumf>, %sqrt3A_214, %reduce_min3A_215 [1] : vector<1024x1024xf32> to vector<1024xf32>
    %broadcast_in_dim3A_217 = vector.shape_cast %reduce_min3A_216 : vector<1024xf32> to vector<1024x1xf32>
    %eq3A_218 = vector.broadcast %broadcast_in_dim3A_217 : vector<1024x1xf32> to vector<1024x1024xf32>
    %eq3A_219 = arith.cmpf oeq, %sqrt3A_214, %eq3A_218 : vector<1024x1024xf32>
    %jit3A_220 = arith.constant 1073741824 : i32
    %broadcast_in_dim3A_221 = vector.broadcast %jit3A_220 : i32 to vector<1024x1024xi32>
    %select_n3A_222 = arith.select %eq3A_219, %iota3A, %broadcast_in_dim3A_221 : vector<1024x1024xi1>, vector<1024x1024xi32>
    %reduce_min3A_223 = arith.constant dense<2147483647> : vector<1024xi32>
    %reduce_min3A_224 = vector.multi_reduction <minsi>, %select_n3A_222, %reduce_min3A_223 [1] : vector<1024x1024xi32> to vector<1024xi32>
    %broadcast_in_dim3A_225 = vector.shape_cast %reduce_min3A_224 : vector<1024xi32> to vector<1024x1xi32>
    %add3A_226 = arith.constant 6144 : i32
    %add3A_227 = vector.broadcast %add3A_226 : i32 to vector<1024x1xi32>
    %add3A_228 = arith.addi %broadcast_in_dim3A_225, %add3A_227 : vector<1024x1xi32>
    %lt3A_229 = arith.cmpf olt, %broadcast_in_dim3A_217, %select_n3A_197 : vector<1024x1xf32>
    %select_n3A_230 = arith.select %lt3A_229, %broadcast_in_dim3A_217, %select_n3A_197 : vector<1024x1xi1>, vector<1024x1xf32>
    %select_n3A_231 = arith.select %lt3A_229, %add3A_228, %select_n3A_198 : vector<1024x1xi1>, vector<1024x1xi32>
    %get3A_232 = arith.constant 7168 : index
    %get3A_233 = arith.constant 0 : index
    %get3A_234 = vector.load %arg4[%get3A_232, %get3A_233] : memref<8192x256xf32, #tpu.memory_space<vmem>>, vector<1024x256xf32>
    %get3A_235 = arith.constant 7168 : index
    %get3A_236 = vector.load %arg2[%get3A_235] : memref<8192xf32, #tpu.memory_space<vmem>>, vector<1024xf32>
    %dot_general3A_237 = arith.constant dense<0.000000e+00> : vector<1024x1024xf32>
    %dot_general3A_238 = tpu.matmul %mul3A_6, %get3A_234, %dot_general3A_237 {dimension_numbers = #tpu.dot_dimension_numbers<[1], [1], [0], [0], [0, 0, 1, 0], [], []>, transpose_lhs_hint = false} : vector<1024x256xf32>, vector<1024x256xf32>, vector<1024x1024xf32> -> vector<1024x1024xf32>
    %broadcast_in_dim3A_239 = vector.shape_cast %get3A_236 : vector<1024xf32> to vector<1x1024xf32>
    %add3A_240 = vector.broadcast %get3A_4 : vector<1024x1xf32> to vector<1024x1024xf32>
    %add3A_241 = vector.broadcast %broadcast_in_dim3A_239 : vector<1x1024xf32> to vector<1024x1024xf32>
    %add3A_242 = arith.addf %add3A_240, %add3A_241 : vector<1024x1024xf32>
    %add3A_243 = arith.addf %add3A_242, %dot_general3A_238 : vector<1024x1024xf32>
    %max3A_244 = arith.constant 0.000000e+00 : f32
    %max3A_245 = vector.broadcast %max3A_244 : f32 to vector<1024x1024xf32>
    %max3A_246 = arith.maximumf %add3A_243, %max3A_245 : vector<1024x1024xf32>
    %sqrt3A_247 = math.sqrt %max3A_246 : vector<1024x1024xf32>
    %reduce_min3A_248 = arith.constant dense<0x7F800000> : vector<1024xf32>
    %reduce_min3A_249 = vector.multi_reduction <minimumf>, %sqrt3A_247, %reduce_min3A_248 [1] : vector<1024x1024xf32> to vector<1024xf32>
    %broadcast_in_dim3A_250 = vector.shape_cast %reduce_min3A_249 : vector<1024xf32> to vector<1024x1xf32>
    %eq3A_251 = vector.broadcast %broadcast_in_dim3A_250 : vector<1024x1xf32> to vector<1024x1024xf32>
    %eq3A_252 = arith.cmpf oeq, %sqrt3A_247, %eq3A_251 : vector<1024x1024xf32>
    %jit3A_253 = arith.constant 1073741824 : i32
    %broadcast_in_dim3A_254 = vector.broadcast %jit3A_253 : i32 to vector<1024x1024xi32>
    %select_n3A_255 = arith.select %eq3A_252, %iota3A, %broadcast_in_dim3A_254 : vector<1024x1024xi1>, vector<1024x1024xi32>
    %reduce_min3A_256 = arith.constant dense<2147483647> : vector<1024xi32>
    %reduce_min3A_257 = vector.multi_reduction <minsi>, %select_n3A_255, %reduce_min3A_256 [1] : vector<1024x1024xi32> to vector<1024xi32>
    %broadcast_in_dim3A_258 = vector.shape_cast %reduce_min3A_257 : vector<1024xi32> to vector<1024x1xi32>
    %add3A_259 = arith.constant 7168 : i32
    %add3A_260 = vector.broadcast %add3A_259 : i32 to vector<1024x1xi32>
    %add3A_261 = arith.addi %broadcast_in_dim3A_258, %add3A_260 : vector<1024x1xi32>
    %lt3A_262 = arith.cmpf olt, %broadcast_in_dim3A_250, %select_n3A_230 : vector<1024x1xf32>
    %select_n3A_263 = arith.select %lt3A_262, %add3A_261, %select_n3A_231 : vector<1024x1xi1>, vector<1024x1xi32>
    %swap3A = arith.constant 0 : index
    %swap3A_264 = arith.constant 0 : index
    %swap3A_265 = vector.load %arg5[%swap3A, %swap3A_264] : memref<1024x1xi32, #tpu.memory_space<vmem>>, vector<1024x1xi32>
    tpu.vector_store %arg5[%swap3A, %swap3A_264], %select_n3A_263 {strides = array<i32>} : memref<1024x1xi32, #tpu.memory_space<vmem>>, vector<1024x1xi32>,
    return
  }
  func.func @transform_0(%arg0: i32) -> (i32, i32) {
    %c0_i32 = arith.constant 0 : i32
    %c0_i32_0 = arith.constant 0 : i32
    return %arg0, %c0_i32 : i32, i32
  }
  func.func @transform_1(%arg0: i32) -> i32 {
    %c0_i32 = arith.constant 0 : i32
    %c0_i32_0 = arith.constant 0 : i32
    return %c0_i32 : i32
  }
  func.func @transform_2(%arg0: i32) -> (i32, i32) {
    %c0_i32 = arith.constant 0 : i32
    %c0_i32_0 = arith.constant 0 : i32
    return %arg0, %c0_i32 : i32, i32
  }
  func.func @transform_3(%arg0: i32) -> (i32, i32) {
    %c0_i32 = arith.constant 0 : i32
    %c0_i32_0 = arith.constant 0 : i32
    %c0_i32_1 = arith.constant 0 : i32
    return %c0_i32, %c0_i32_0 : i32, i32
  }
  func.func @transform_4(%arg0: i32) -> (i32, i32) {
    %c0_i32 = arith.constant 0 : i32
    %c0_i32_0 = arith.constant 0 : i32
    return %arg0, %c0_i32 : i32, i32
  }
}

module attributes {stable_mosaic.version = 14 : i64} {
  func.func @body(%arg0: i32, %arg1: memref<1024x1xf32, #tpu.memory_space<vmem>>, %arg2: memref<8192xf32, #tpu.memory_space<vmem>>, %arg3: memref<1024x256xf32, #tpu.memory_space<vmem>>, %arg4: memref<8192x256xf32, #tpu.memory_space<vmem>>, %arg5: memref<1024x1xi32, #tpu.memory_space<vmem>>) attributes {dimension_semantics = [#tpu.dimension_semantics<arbitrary>], iteration_bounds = array<i64: 8>, scalar_prefetch = 0 : i64, scratch_operands = 0 : i64, tpu.core_type = #tpu.core_type<tc>, window_params = [{transform_indices = @transform_0, window_bounds = array<i64: 1024, 1>}, {pipeline_mode = #tpu.pipeline_mode<synchronous>, transform_indices = @transform_1, window_bounds = array<i64: 8192>}, {transform_indices = @transform_2, window_bounds = array<i64: 1024, 256>}, {pipeline_mode = #tpu.pipeline_mode<synchronous>, transform_indices = @transform_3, window_bounds = array<i64: 8192, 256>}, {transform_indices = @transform_4, window_bounds = array<i64: 1024, 1>}]} {
    %get3A = arith.constant 0 : index
    %get3A_0 = arith.constant 0 : index
    %get3A_1 = vector.load %arg3[%get3A, %get3A_0] : memref<1024x256xf32, #tpu.memory_space<vmem>>, vector<1024x256xf32>
    %get3A_2 = arith.constant 0 : index
    %get3A_3 = arith.constant 0 : index
    %get3A_4 = vector.load %arg1[%get3A_2, %get3A_3] : memref<1024x1xf32, #tpu.memory_space<vmem>>, vector<1024x1xf32>
    %mul3A = arith.constant -2.000000e+00 : f32
    %mul3A_5 = vector.broadcast %mul3A : f32 to vector<1024x256xf32>
    %mul3A_6 = arith.mulf %mul3A_5, %get3A_1 : vector<1024x256xf32>
    %broadcast_in_dim3A = arith.constant 0x7F800000 : f32
    %broadcast_in_dim3A_7 = vector.broadcast %broadcast_in_dim3A : f32 to vector<1024x1xf32>
    %broadcast_in_dim3A_8 = arith.constant 0 : i32
    %broadcast_in_dim3A_9 = vector.broadcast %broadcast_in_dim3A_8 : i32 to vector<1024x1xi32>
    %iota3A = tpu.iota {dimensions = array<i32: 1>} : vector<1024x1024xi32>
    %get3A_10 = arith.constant 0 : index
    %get3A_11 = arith.constant 0 : index
    %get3A_12 = vector.load %arg4[%get3A_10, %get3A_11] : memref<8192x256xf32, #tpu.memory_space<vmem>>, vector<1024x256xf32>
    %get3A_13 = arith.constant 0 : index
    %get3A_14 = vector.load %arg2[%get3A_13] : memref<8192xf32, #tpu.memory_space<vmem>>, vector<1024xf32>
    %dot_general3A = arith.constant dense<0.000000e+00> : vector<1024x1024xf32>
    %dot_general3A_15 = tpu.matmul %mul3A_6, %get3A_12, %dot_general3A {dimension_numbers = #tpu.dot_dimension_numbers<[1], [1], [0], [0], [0, 0, 1, 0], [], []>, transpose_lhs_hint = false} : vector<1024x256xf32>, vector<1024x256xf32>, vector<1024x1024xf32> -> vector<1024x1024xf32>
    %broadcast_in_dim3A_16 = vector.shape_cast %get3A_14 : vector<1024xf32> to vector<1x1024xf32>
    %add3A = vector.broadcast %get3A_4 : vector<1024x1xf32> to vector<1024x1024xf32>
    %add3A_17 = vector.broadcast %broadcast_in_dim3A_16 : vector<1x1024xf32> to vector<1024x1024xf32>
    %add3A_18 = arith.addf %add3A, %add3A_17 : vector<1024x1024xf32>
    %add3A_19 = arith.addf %add3A_18, %dot_general3A_15 : vector<1024x1024xf32>
    %max3A = arith.constant 0.000000e+00 : f32
    %max3A_20 = vector.broadcast %max3A : f32 to vector<1024x1024xf32>
    %max3A_21 = arith.maximumf %add3A_19, %max3A_20 : vector<1024x1024xf32>
    %sqrt3A = math.sqrt %max3A_21 : vector<1024x1024xf32>
    %reduce_min3A = arith.constant dense<0x7F800000> : vector<1024xf32>
    %reduce_min3A_22 = vector.multi_reduction <minimumf>, %sqrt3A, %reduce_min3A [1] : vector<1024x1024xf32> to vector<1024xf32>
    %broadcast_in_dim3A_23 = vector.shape_cast %reduce_min3A_22 : vector<1024xf32> to vector<1024x1xf32>
    %eq3A = vector.broadcast %broadcast_in_dim3A_23 : vector<1024x1xf32> to vector<1024x1024xf32>
    %eq3A_24 = arith.cmpf oeq, %sqrt3A, %eq3A : vector<1024x1024xf32>
    %jit3A = arith.constant 1073741824 : i32
    %broadcast_in_dim3A_25 = vector.broadcast %jit3A : i32 to vector<1024x1024xi32>
    %select_n3A = arith.select %eq3A_24, %iota3A, %broadcast_in_dim3A_25 : vector<1024x1024xi1>, vector<1024x1024xi32>
    %reduce_min3A_26 = arith.constant dense<2147483647> : vector<1024xi32>
    %reduce_min3A_27 = vector.multi_reduction <minsi>, %select_n3A, %reduce_min3A_26 [1] : vector<1024x1024xi32> to vector<1024xi32>
    %broadcast_in_dim3A_28 = vector.shape_cast %reduce_min3A_27 : vector<1024xi32> to vector<1024x1xi32>
    %add3A_29 = arith.constant 0 : i32
    %add3A_30 = vector.broadcast %add3A_29 : i32 to vector<1024x1xi32>
    %add3A_31 = arith.addi %broadcast_in_dim3A_28, %add3A_30 : vector<1024x1xi32>
    %lt3A = arith.cmpf olt, %broadcast_in_dim3A_23, %broadcast_in_dim3A_7 : vector<1024x1xf32>
    %select_n3A_32 = arith.select %lt3A, %broadcast_in_dim3A_23, %broadcast_in_dim3A_7 : vector<1024x1xi1>, vector<1024x1xf32>
    %select_n3A_33 = arith.select %lt3A, %add3A_31, %broadcast_in_dim3A_9 : vector<1024x1xi1>, vector<1024x1xi32>
    %get3A_34 = arith.constant 1024 : index
    %get3A_35 = arith.constant 0 : index
    %get3A_36 = vector.load %arg4[%get3A_34, %get3A_35] : memref<8192x256xf32, #tpu.memory_space<vmem>>, vector<1024x256xf32>
    %get3A_37 = arith.constant 1024 : index
    %get3A_38 = vector.load %arg2[%get3A_37] : memref<8192xf32, #tpu.memory_space<vmem>>, vector<1024xf32>
    %dot_general3A_39 = arith.constant dense<0.000000e+00> : vector<1024x1024xf32>
    %dot_general3A_40 = tpu.matmul %mul3A_6, %get3A_36, %dot_general3A_39 {dimension_numbers = #tpu.dot_dimension_numbers<[1], [1], [0], [0], [0, 0, 1, 0], [], []>, transpose_lhs_hint = false} : vector<1024x256xf32>, vector<1024x256xf32>, vector<1024x1024xf32> -> vector<1024x1024xf32>
    %broadcast_in_dim3A_41 = vector.shape_cast %get3A_38 : vector<1024xf32> to vector<1x1024xf32>
    %add3A_42 = vector.broadcast %get3A_4 : vector<1024x1xf32> to vector<1024x1024xf32>
    %add3A_43 = vector.broadcast %broadcast_in_dim3A_41 : vector<1x1024xf32> to vector<1024x1024xf32>
    %add3A_44 = arith.addf %add3A_42, %add3A_43 : vector<1024x1024xf32>
    %add3A_45 = arith.addf %add3A_44, %dot_general3A_40 : vector<1024x1024xf32>
    %max3A_46 = arith.constant 0.000000e+00 : f32
    %max3A_47 = vector.broadcast %max3A_46 : f32 to vector<1024x1024xf32>
    %max3A_48 = arith.maximumf %add3A_45, %max3A_47 : vector<1024x1024xf32>
    %sqrt3A_49 = math.sqrt %max3A_48 : vector<1024x1024xf32>
    %reduce_min3A_50 = arith.constant dense<0x7F800000> : vector<1024xf32>
    %reduce_min3A_51 = vector.multi_reduction <minimumf>, %sqrt3A_49, %reduce_min3A_50 [1] : vector<1024x1024xf32> to vector<1024xf32>
    %broadcast_in_dim3A_52 = vector.shape_cast %reduce_min3A_51 : vector<1024xf32> to vector<1024x1xf32>
    %eq3A_53 = vector.broadcast %broadcast_in_dim3A_52 : vector<1024x1xf32> to vector<1024x1024xf32>
    %eq3A_54 = arith.cmpf oeq, %sqrt3A_49, %eq3A_53 : vector<1024x1024xf32>
    %jit3A_55 = arith.constant 1073741824 : i32
    %broadcast_in_dim3A_56 = vector.broadcast %jit3A_55 : i32 to vector<1024x1024xi32>
    %select_n3A_57 = arith.select %eq3A_54, %iota3A, %broadcast_in_dim3A_56 : vector<1024x1024xi1>, vector<1024x1024xi32>
    %reduce_min3A_58 = arith.constant dense<2147483647> : vector<1024xi32>
    %reduce_min3A_59 = vector.multi_reduction <minsi>, %select_n3A_57, %reduce_min3A_58 [1] : vector<1024x1024xi32> to vector<1024xi32>
    %broadcast_in_dim3A_60 = vector.shape_cast %reduce_min3A_59 : vector<1024xi32> to vector<1024x1xi32>
    %add3A_61 = arith.constant 1024 : i32
    %add3A_62 = vector.broadcast %add3A_61 : i32 to vector<1024x1xi32>
    %add3A_63 = arith.addi %broadcast_in_dim3A_60, %add3A_62 : vector<1024x1xi32>
    %lt3A_64 = arith.cmpf olt, %broadcast_in_dim3A_52, %select_n3A_32 : vector<1024x1xf32>
    %select_n3A_65 = arith.select %lt3A_64, %broadcast_in_dim3A_52, %select_n3A_32 : vector<1024x1xi1>, vector<1024x1xf32>
    %select_n3A_66 = arith.select %lt3A_64, %add3A_63, %select_n3A_33 : vector<1024x1xi1>, vector<1024x1xi32>
    %get3A_67 = arith.constant 2048 : index
    %get3A_68 = arith.constant 0 : index
    %get3A_69 = vector.load %arg4[%get3A_67, %get3A_68] : memref<8192x256xf32, #tpu.memory_space<vmem>>, vector<1024x256xf32>
    %get3A_70 = arith.constant 2048 : index
    %get3A_71 = vector.load %arg2[%get3A_70] : memref<8192xf32, #tpu.memory_space<vmem>>, vector<1024xf32>
    %dot_general3A_72 = arith.constant dense<0.000000e+00> : vector<1024x1024xf32>
    %dot_general3A_73 = tpu.matmul %mul3A_6, %get3A_69, %dot_general3A_72 {dimension_numbers = #tpu.dot_dimension_numbers<[1], [1], [0], [0], [0, 0, 1, 0], [], []>, transpose_lhs_hint = false} : vector<1024x256xf32>, vector<1024x256xf32>, vector<1024x1024xf32> -> vector<1024x1024xf32>
    %broadcast_in_dim3A_74 = vector.shape_cast %get3A_71 : vector<1024xf32> to vector<1x1024xf32>
    %add3A_75 = vector.broadcast %get3A_4 : vector<1024x1xf32> to vector<1024x1024xf32>
    %add3A_76 = vector.broadcast %broadcast_in_dim3A_74 : vector<1x1024xf32> to vector<1024x1024xf32>
    %add3A_77 = arith.addf %add3A_75, %add3A_76 : vector<1024x1024xf32>
    %add3A_78 = arith.addf %add3A_77, %dot_general3A_73 : vector<1024x1024xf32>
    %max3A_79 = arith.constant 0.000000e+00 : f32
    %max3A_80 = vector.broadcast %max3A_79 : f32 to vector<1024x1024xf32>
    %max3A_81 = arith.maximumf %add3A_78, %max3A_80 : vector<1024x1024xf32>
    %sqrt3A_82 = math.sqrt %max3A_81 : vector<1024x1024xf32>
    %reduce_min3A_83 = arith.constant dense<0x7F800000> : vector<1024xf32>
    %reduce_min3A_84 = vector.multi_reduction <minimumf>, %sqrt3A_82, %reduce_min3A_83 [1] : vector<1024x1024xf32> to vector<1024xf32>
    %broadcast_in_dim3A_85 = vector.shape_cast %reduce_min3A_84 : vector<1024xf32> to vector<1024x1xf32>
    %eq3A_86 = vector.broadcast %broadcast_in_dim3A_85 : vector<1024x1xf32> to vector<1024x1024xf32>
    %eq3A_87 = arith.cmpf oeq, %sqrt3A_82, %eq3A_86 : vector<1024x1024xf32>
    %jit3A_88 = arith.constant 1073741824 : i32
    %broadcast_in_dim3A_89 = vector.broadcast %jit3A_88 : i32 to vector<1024x1024xi32>
    %select_n3A_90 = arith.select %eq3A_87, %iota3A, %broadcast_in_dim3A_89 : vector<1024x1024xi1>, vector<1024x1024xi32>
    %reduce_min3A_91 = arith.constant dense<2147483647> : vector<1024xi32>
    %reduce_min3A_92 = vector.multi_reduction <minsi>, %select_n3A_90, %reduce_min3A_91 [1] : vector<1024x1024xi32> to vector<1024xi32>
    %broadcast_in_dim3A_93 = vector.shape_cast %reduce_min3A_92 : vector<1024xi32> to vector<1024x1xi32>
    %add3A_94 = arith.constant 2048 : i32
    %add3A_95 = vector.broadcast %add3A_94 : i32 to vector<1024x1xi32>
    %add3A_96 = arith.addi %broadcast_in_dim3A_93, %add3A_95 : vector<1024x1xi32>
    %lt3A_97 = arith.cmpf olt, %broadcast_in_dim3A_85, %select_n3A_65 : vector<1024x1xf32>
    %select_n3A_98 = arith.select %lt3A_97, %broadcast_in_dim3A_85, %select_n3A_65 : vector<1024x1xi1>, vector<1024x1xf32>
    %select_n3A_99 = arith.select %lt3A_97, %add3A_96, %select_n3A_66 : vector<1024x1xi1>, vector<1024x1xi32>
    %get3A_100 = arith.constant 3072 : index
    %get3A_101 = arith.constant 0 : index
    %get3A_102 = vector.load %arg4[%get3A_100, %get3A_101] : memref<8192x256xf32, #tpu.memory_space<vmem>>, vector<1024x256xf32>
    %get3A_103 = arith.constant 3072 : index
    %get3A_104 = vector.load %arg2[%get3A_103] : memref<8192xf32, #tpu.memory_space<vmem>>, vector<1024xf32>
    %dot_general3A_105 = arith.constant dense<0.000000e+00> : vector<1024x1024xf32>
    %dot_general3A_106 = tpu.matmul %mul3A_6, %get3A_102, %dot_general3A_105 {dimension_numbers = #tpu.dot_dimension_numbers<[1], [1], [0], [0], [0, 0, 1, 0], [], []>, transpose_lhs_hint = false} : vector<1024x256xf32>, vector<1024x256xf32>, vector<1024x1024xf32> -> vector<1024x1024xf32>
    %broadcast_in_dim3A_107 = vector.shape_cast %get3A_104 : vector<1024xf32> to vector<1x1024xf32>
    %add3A_108 = vector.broadcast %get3A_4 : vector<1024x1xf32> to vector<1024x1024xf32>
    %add3A_109 = vector.broadcast %broadcast_in_dim3A_107 : vector<1x1024xf32> to vector<1024x1024xf32>
    %add3A_110 = arith.addf %add3A_108, %add3A_109 : vector<1024x1024xf32>
    %add3A_111 = arith.addf %add3A_110, %dot_general3A_106 : vector<1024x1024xf32>
    %max3A_112 = arith.constant 0.000000e+00 : f32
    %max3A_113 = vector.broadcast %max3A_112 : f32 to vector<1024x1024xf32>
    %max3A_114 = arith.maximumf %add3A_111, %max3A_113 : vector<1024x1024xf32>
    %sqrt3A_115 = math.sqrt %max3A_114 : vector<1024x1024xf32>
    %reduce_min3A_116 = arith.constant dense<0x7F800000> : vector<1024xf32>
    %reduce_min3A_117 = vector.multi_reduction <minimumf>, %sqrt3A_115, %reduce_min3A_116 [1] : vector<1024x1024xf32> to vector<1024xf32>
    %broadcast_in_dim3A_118 = vector.shape_cast %reduce_min3A_117 : vector<1024xf32> to vector<1024x1xf32>
    %eq3A_119 = vector.broadcast %broadcast_in_dim3A_118 : vector<1024x1xf32> to vector<1024x1024xf32>
    %eq3A_120 = arith.cmpf oeq, %sqrt3A_115, %eq3A_119 : vector<1024x1024xf32>
    %jit3A_121 = arith.constant 1073741824 : i32
    %broadcast_in_dim3A_122 = vector.broadcast %jit3A_121 : i32 to vector<1024x1024xi32>
    %select_n3A_123 = arith.select %eq3A_120, %iota3A, %broadcast_in_dim3A_122 : vector<1024x1024xi1>, vector<1024x1024xi32>
    %reduce_min3A_124 = arith.constant dense<2147483647> : vector<1024xi32>
    %reduce_min3A_125 = vector.multi_reduction <minsi>, %select_n3A_123, %reduce_min3A_124 [1] : vector<1024x1024xi32> to vector<1024xi32>
    %broadcast_in_dim3A_126 = vector.shape_cast %reduce_min3A_125 : vector<1024xi32> to vector<1024x1xi32>
    %add3A_127 = arith.constant 3072 : i32
    %add3A_128 = vector.broadcast %add3A_127 : i32 to vector<1024x1xi32>
    %add3A_129 = arith.addi %broadcast_in_dim3A_126, %add3A_128 : vector<1024x1xi32>
    %lt3A_130 = arith.cmpf olt, %broadcast_in_dim3A_118, %select_n3A_98 : vector<1024x1xf32>
    %select_n3A_131 = arith.select %lt3A_130, %broadcast_in_dim3A_118, %select_n3A_98 : vector<1024x1xi1>, vector<1024x1xf32>
    %select_n3A_132 = arith.select %lt3A_130, %add3A_129, %select_n3A_99 : vector<1024x1xi1>, vector<1024x1xi32>
    %get3A_133 = arith.constant 4096 : index
    %get3A_134 = arith.constant 0 : index
    %get3A_135 = vector.load %arg4[%get3A_133, %get3A_134] : memref<8192x256xf32, #tpu.memory_space<vmem>>, vector<1024x256xf32>
    %get3A_136 = arith.constant 4096 : index
    %get3A_137 = vector.load %arg2[%get3A_136] : memref<8192xf32, #tpu.memory_space<vmem>>, vector<1024xf32>
    %dot_general3A_138 = arith.constant dense<0.000000e+00> : vector<1024x1024xf32>
    %dot_general3A_139 = tpu.matmul %mul3A_6, %get3A_135, %dot_general3A_138 {dimension_numbers = #tpu.dot_dimension_numbers<[1], [1], [0], [0], [0, 0, 1, 0], [], []>, transpose_lhs_hint = false} : vector<1024x256xf32>, vector<1024x256xf32>, vector<1024x1024xf32> -> vector<1024x1024xf32>
    %broadcast_in_dim3A_140 = vector.shape_cast %get3A_137 : vector<1024xf32> to vector<1x1024xf32>
    %add3A_141 = vector.broadcast %get3A_4 : vector<1024x1xf32> to vector<1024x1024xf32>
    %add3A_142 = vector.broadcast %broadcast_in_dim3A_140 : vector<1x1024xf32> to vector<1024x1024xf32>
    %add3A_143 = arith.addf %add3A_141, %add3A_142 : vector<1024x1024xf32>
    %add3A_144 = arith.addf %add3A_143, %dot_general3A_139 : vector<1024x1024xf32>
    %max3A_145 = arith.constant 0.000000e+00 : f32
    %max3A_146 = vector.broadcast %max3A_145 : f32 to vector<1024x1024xf32>
    %max3A_147 = arith.maximumf %add3A_144, %max3A_146 : vector<1024x1024xf32>
    %sqrt3A_148 = math.sqrt %max3A_147 : vector<1024x1024xf32>
    %reduce_min3A_149 = arith.constant dense<0x7F800000> : vector<1024xf32>
    %reduce_min3A_150 = vector.multi_reduction <minimumf>, %sqrt3A_148, %reduce_min3A_149 [1] : vector<1024x1024xf32> to vector<1024xf32>
    %broadcast_in_dim3A_151 = vector.shape_cast %reduce_min3A_150 : vector<1024xf32> to vector<1024x1xf32>
    %eq3A_152 = vector.broadcast %broadcast_in_dim3A_151 : vector<1024x1xf32> to vector<1024x1024xf32>
    %eq3A_153 = arith.cmpf oeq, %sqrt3A_148, %eq3A_152 : vector<1024x1024xf32>
    %jit3A_154 = arith.constant 1073741824 : i32
    %broadcast_in_dim3A_155 = vector.broadcast %jit3A_154 : i32 to vector<1024x1024xi32>
    %select_n3A_156 = arith.select %eq3A_153, %iota3A, %broadcast_in_dim3A_155 : vector<1024x1024xi1>, vector<1024x1024xi32>
    %reduce_min3A_157 = arith.constant dense<2147483647> : vector<1024xi32>
    %reduce_min3A_158 = vector.multi_reduction <minsi>, %select_n3A_156, %reduce_min3A_157 [1] : vector<1024x1024xi32> to vector<1024xi32>
    %broadcast_in_dim3A_159 = vector.shape_cast %reduce_min3A_158 : vector<1024xi32> to vector<1024x1xi32>
    %add3A_160 = arith.constant 4096 : i32
    %add3A_161 = vector.broadcast %add3A_160 : i32 to vector<1024x1xi32>
    %add3A_162 = arith.addi %broadcast_in_dim3A_159, %add3A_161 : vector<1024x1xi32>
    %lt3A_163 = arith.cmpf olt, %broadcast_in_dim3A_151, %broadcast_in_dim3A_7 : vector<1024x1xf32>
    %select_n3A_164 = arith.select %lt3A_163, %broadcast_in_dim3A_151, %broadcast_in_dim3A_7 : vector<1024x1xi1>, vector<1024x1xf32>
    %select_n3A_165 = arith.select %lt3A_163, %add3A_162, %broadcast_in_dim3A_9 : vector<1024x1xi1>, vector<1024x1xi32>
    %get3A_166 = arith.constant 5120 : index
    %get3A_167 = arith.constant 0 : index
    %get3A_168 = vector.load %arg4[%get3A_166, %get3A_167] : memref<8192x256xf32, #tpu.memory_space<vmem>>, vector<1024x256xf32>
    %get3A_169 = arith.constant 5120 : index
    %get3A_170 = vector.load %arg2[%get3A_169] : memref<8192xf32, #tpu.memory_space<vmem>>, vector<1024xf32>
    %dot_general3A_171 = arith.constant dense<0.000000e+00> : vector<1024x1024xf32>
    %dot_general3A_172 = tpu.matmul %mul3A_6, %get3A_168, %dot_general3A_171 {dimension_numbers = #tpu.dot_dimension_numbers<[1], [1], [0], [0], [0, 0, 1, 0], [], []>, transpose_lhs_hint = false} : vector<1024x256xf32>, vector<1024x256xf32>, vector<1024x1024xf32> -> vector<1024x1024xf32>
    %broadcast_in_dim3A_173 = vector.shape_cast %get3A_170 : vector<1024xf32> to vector<1x1024xf32>
    %add3A_174 = vector.broadcast %get3A_4 : vector<1024x1xf32> to vector<1024x1024xf32>
    %add3A_175 = vector.broadcast %broadcast_in_dim3A_173 : vector<1x1024xf32> to vector<1024x1024xf32>
    %add3A_176 = arith.addf %add3A_174, %add3A_175 : vector<1024x1024xf32>
    %add3A_177 = arith.addf %add3A_176, %dot_general3A_172 : vector<1024x1024xf32>
    %max3A_178 = arith.constant 0.000000e+00 : f32
    %max3A_179 = vector.broadcast %max3A_178 : f32 to vector<1024x1024xf32>
    %max3A_180 = arith.maximumf %add3A_177, %max3A_179 : vector<1024x1024xf32>
    %sqrt3A_181 = math.sqrt %max3A_180 : vector<1024x1024xf32>
    %reduce_min3A_182 = arith.constant dense<0x7F800000> : vector<1024xf32>
    %reduce_min3A_183 = vector.multi_reduction <minimumf>, %sqrt3A_181, %reduce_min3A_182 [1] : vector<1024x1024xf32> to vector<1024xf32>
    %broadcast_in_dim3A_184 = vector.shape_cast %reduce_min3A_183 : vector<1024xf32> to vector<1024x1xf32>
    %eq3A_185 = vector.broadcast %broadcast_in_dim3A_184 : vector<1024x1xf32> to vector<1024x1024xf32>
    %eq3A_186 = arith.cmpf oeq, %sqrt3A_181, %eq3A_185 : vector<1024x1024xf32>
    %jit3A_187 = arith.constant 1073741824 : i32
    %broadcast_in_dim3A_188 = vector.broadcast %jit3A_187 : i32 to vector<1024x1024xi32>
    %select_n3A_189 = arith.select %eq3A_186, %iota3A, %broadcast_in_dim3A_188 : vector<1024x1024xi1>, vector<1024x1024xi32>
    %reduce_min3A_190 = arith.constant dense<2147483647> : vector<1024xi32>
    %reduce_min3A_191 = vector.multi_reduction <minsi>, %select_n3A_189, %reduce_min3A_190 [1] : vector<1024x1024xi32> to vector<1024xi32>
    %broadcast_in_dim3A_192 = vector.shape_cast %reduce_min3A_191 : vector<1024xi32> to vector<1024x1xi32>
    %add3A_193 = arith.constant 5120 : i32
    %add3A_194 = vector.broadcast %add3A_193 : i32 to vector<1024x1xi32>
    %add3A_195 = arith.addi %broadcast_in_dim3A_192, %add3A_194 : vector<1024x1xi32>
    %lt3A_196 = arith.cmpf olt, %broadcast_in_dim3A_184, %select_n3A_164 : vector<1024x1xf32>
    %select_n3A_197 = arith.select %lt3A_196, %broadcast_in_dim3A_184, %select_n3A_164 : vector<1024x1xi1>, vector<1024x1xf32>
    %select_n3A_198 = arith.select %lt3A_196, %add3A_195, %select_n3A_165 : vector<1024x1xi1>, vector<1024x1xi32>
    %get3A_199 = arith.constant 6144 : index
    %get3A_200 = arith.constant 0 : index
    %get3A_201 = vector.load %arg4[%get3A_199, %get3A_200] : memref<8192x256xf32, #tpu.memory_space<vmem>>, vector<1024x256xf32>
    %get3A_202 = arith.constant 6144 : index
    %get3A_203 = vector.load %arg2[%get3A_202] : memref<8192xf32, #tpu.memory_space<vmem>>, vector<1024xf32>
    %dot_general3A_204 = arith.constant dense<0.000000e+00> : vector<1024x1024xf32>
    %dot_general3A_205 = tpu.matmul %mul3A_6, %get3A_201, %dot_general3A_204 {dimension_numbers = #tpu.dot_dimension_numbers<[1], [1], [0], [0], [0, 0, 1, 0], [], []>, transpose_lhs_hint = false} : vector<1024x256xf32>, vector<1024x256xf32>, vector<1024x1024xf32> -> vector<1024x1024xf32>
    %broadcast_in_dim3A_206 = vector.shape_cast %get3A_203 : vector<1024xf32> to vector<1x1024xf32>
    %add3A_207 = vector.broadcast %get3A_4 : vector<1024x1xf32> to vector<1024x1024xf32>
    %add3A_208 = vector.broadcast %broadcast_in_dim3A_206 : vector<1x1024xf32> to vector<1024x1024xf32>
    %add3A_209 = arith.addf %add3A_207, %add3A_208 : vector<1024x1024xf32>
    %add3A_210 = arith.addf %add3A_209, %dot_general3A_205 : vector<1024x1024xf32>
    %max3A_211 = arith.constant 0.000000e+00 : f32
    %max3A_212 = vector.broadcast %max3A_211 : f32 to vector<1024x1024xf32>
    %max3A_213 = arith.maximumf %add3A_210, %max3A_212 : vector<1024x1024xf32>
    %sqrt3A_214 = math.sqrt %max3A_213 : vector<1024x1024xf32>
    %reduce_min3A_215 = arith.constant dense<0x7F800000> : vector<1024xf32>
    %reduce_min3A_216 = vector.multi_reduction <minimumf>, %sqrt3A_214, %reduce_min3A_215 [1] : vector<1024x1024xf32> to vector<1024xf32>
    %broadcast_in_dim3A_217 = vector.shape_cast %reduce_min3A_216 : vector<1024xf32> to vector<1024x1xf32>
    %eq3A_218 = vector.broadcast %broadcast_in_dim3A_217 : vector<1024x1xf32> to vector<1024x1024xf32>
    %eq3A_219 = arith.cmpf oeq, %sqrt3A_214, %eq3A_218 : vector<1024x1024xf32>
    %jit3A_220 = arith.constant 1073741824 : i32
    %broadcast_in_dim3A_221 = vector.broadcast %jit3A_220 : i32 to vector<1024x1024xi32>
    %select_n3A_222 = arith.select %eq3A_219, %iota3A, %broadcast_in_dim3A_221 : vector<1024x1024xi1>, vector<1024x1024xi32>
    %reduce_min3A_223 = arith.constant dense<2147483647> : vector<1024xi32>
    %reduce_min3A_224 = vector.multi_reduction <minsi>, %select_n3A_222, %reduce_min3A_223 [1] : vector<1024x1024xi32> to vector<1024xi32>
    %broadcast_in_dim3A_225 = vector.shape_cast %reduce_min3A_224 : vector<1024xi32> to vector<1024x1xi32>
    %add3A_226 = arith.constant 6144 : i32
    %add3A_227 = vector.broadcast %add3A_226 : i32 to vector<1024x1xi32>
    %add3A_228 = arith.addi %broadcast_in_dim3A_225, %add3A_227 : vector<1024x1xi32>
    %lt3A_229 = arith.cmpf olt, %broadcast_in_dim3A_217, %select_n3A_197 : vector<1024x1xf32>
    %select_n3A_230 = arith.select %lt3A_229, %broadcast_in_dim3A_217, %select_n3A_197 : vector<1024x1xi1>, vector<1024x1xf32>
    %select_n3A_231 = arith.select %lt3A_229, %add3A_228, %select_n3A_198 : vector<1024x1xi1>, vector<1024x1xi32>
    %get3A_232 = arith.constant 7168 : index
    %get3A_233 = arith.constant 0 : index
    %get3A_234 = vector.load %arg4[%get3A_232, %get3A_233] : memref<8192x256xf32, #tpu.memory_space<vmem>>, vector<1024x256xf32>
    %get3A_235 = arith.constant 7168 : index
    %get3A_236 = vector.load %arg2[%get3A_235] : memref<8192xf32, #tpu.memory_space<vmem>>, vector<1024xf32>
    %dot_general3A_237 = arith.constant dense<0.000000e+00> : vector<1024x1024xf32>
    %dot_general3A_238 = tpu.matmul %mul3A_6, %get3A_234, %dot_general3A_237 {dimension_numbers = #tpu.dot_dimension_numbers<[1], [1], [0], [0], [0, 0, 1, 0], [], []>, transpose_lhs_hint = false} : vector<1024x256xf32>, vector<1024x256xf32>, vector<1024x1024xf32> -> vector<1024x1024xf32>
    %broadcast_in_dim3A_239 = vector.shape_cast %get3A_236 : vector<1024xf32> to vector<1x1024xf32>
    %add3A_240 = vector.broadcast %get3A_4 : vector<1024x1xf32> to vector<1024x1024xf32>
    %add3A_241 = vector.broadcast %broadcast_in_dim3A_239 : vector<1x1024xf32> to vector<1024x1024xf32>
    %add3A_242 = arith.addf %add3A_240, %add3A_241 : vector<1024x1024xf32>
    %add3A_243 = arith.addf %add3A_242, %dot_general3A_238 : vector<1024x1024xf32>
    %max3A_244 = arith.constant 0.000000e+00 : f32
    %max3A_245 = vector.broadcast %max3A_244 : f32 to vector<1024x1024xf32>
    %max3A_246 = arith.maximumf %add3A_243, %max3A_245 : vector<1024x1024xf32>
    %sqrt3A_247 = math.sqrt %max3A_246 : vector<1024x1024xf32>
    %reduce_min3A_248 = arith.constant dense<0x7F800000> : vector<1024xf32>
    %reduce_min3A_249 = vector.multi_reduction <minimumf>, %sqrt3A_247, %reduce_min3A_248 [1] : vector<1024x1024xf32> to vector<1024xf32>
    %broadcast_in_dim3A_250 = vector.shape_cast %reduce_min3A_249 : vector<1024xf32> to vector<1024x1xf32>
    %eq3A_251 = vector.broadcast %broadcast_in_dim3A_250 : vector<1024x1xf32> to vector<1024x1024xf32>
    %eq3A_252 = arith.cmpf oeq, %sqrt3A_247, %eq3A_251 : vector<1024x1024xf32>
    %jit3A_253 = arith.constant 1073741824 : i32
    %broadcast_in_dim3A_254 = vector.broadcast %jit3A_253 : i32 to vector<1024x1024xi32>
    %select_n3A_255 = arith.select %eq3A_252, %iota3A, %broadcast_in_dim3A_254 : vector<1024x1024xi1>, vector<1024x1024xi32>
    %reduce_min3A_256 = arith.constant dense<2147483647> : vector<1024xi32>
    %reduce_min3A_257 = vector.multi_reduction <minsi>, %select_n3A_255, %reduce_min3A_256 [1] : vector<1024x1024xi32> to vector<1024xi32>
    %broadcast_in_dim3A_258 = vector.shape_cast %reduce_min3A_257 : vector<1024xi32> to vector<1024x1xi32>
    %add3A_259 = arith.constant 7168 : i32
    %add3A_260 = vector.broadcast %add3A_259 : i32 to vector<1024x1xi32>
    %add3A_261 = arith.addi %broadcast_in_dim3A_258, %add3A_260 : vector<1024x1xi32>
    %lt3A_262 = arith.cmpf olt, %broadcast_in_dim3A_250, %select_n3A_230 : vector<1024x1xf32>
    %select_n3A_263 = arith.select %lt3A_262, %broadcast_in_dim3A_250, %select_n3A_230 : vector<1024x1xi1>, vector<1024x1xf32>
    %select_n3A_264 = arith.select %lt3A_262, %add3A_261, %select_n3A_231 : vector<1024x1xi1>, vector<1024x1xi32>
    %convert_element_type3A = arith.truncf %select_n3A_131 : vector<1024x1xf32> to vector<1024x1xbf16>
    %convert_element_type3A_265 = arith.extf %convert_element_type3A : vector<1024x1xbf16> to vector<1024x1xf32>
    %lt3A_266 = arith.cmpf olt, %select_n3A_263, %convert_element_type3A_265 : vector<1024x1xf32>
    %select_n3A_267 = arith.select %lt3A_266, %select_n3A_264, %select_n3A_132 : vector<1024x1xi1>, vector<1024x1xi32>
    %swap3A = arith.constant 0 : index
    %swap3A_268 = arith.constant 0 : index
    %swap3A_269 = vector.load %arg5[%swap3A, %swap3A_268] : memref<1024x1xi32, #tpu.memory_space<vmem>>, vector<1024x1xi32>
    tpu.vector_store %arg5[%swap3A, %swap3A_268], %select_n3A_267 {strides = array<i32>} : memref<1024x1xi32, #tpu.memory_space<vmem>>, vector<1024x1xi32>,
    return
  }
  func.func @transform_0(%arg0: i32) -> (i32, i32) {
    %c0_i32 = arith.constant 0 : i32
    %c0_i32_0 = arith.constant 0 : i32
    return %arg0, %c0_i32 : i32, i32
  }
  func.func @transform_1(%arg0: i32) -> i32 {
    %c0_i32 = arith.constant 0 : i32
    %c0_i32_0 = arith.constant 0 : i32
    return %c0_i32 : i32
  }
  func.func @transform_2(%arg0: i32) -> (i32, i32) {
    %c0_i32 = arith.constant 0 : i32
    %c0_i32_0 = arith.constant 0 : i32
    return %arg0, %c0_i32 : i32, i32
  }
  func.func @transform_3(%arg0: i32) -> (i32, i32) {
    %c0_i32 = arith.constant 0 : i32
    %c0_i32_0 = arith.constant 0 : i32
    %c0_i32_1 = arith.constant 0 : i32
    return %c0_i32, %c0_i32_0 : i32, i32
  }
  func.func @transform_4(%arg0: i32) -> (i32, i32) {
    %c0_i32 = arith.constant 0 : i32
    %c0_i32_0 = arith.constant 0 : i32
    return %arg0, %c0_i32 : i32, i32
  }
}

</mosaic_0001>

<sc_bundles>
// kernel: kernel.6.cloned.1.call-start
scs
__scs_entry_jumppad:
0x0: {  	(pc) =	sbr.rel $0x88, $3  }
0x1: {  	(tag) =	ssettag $0x0;
	lr =	simm.s32 $0x1  }
0x2: {  	[smem:$0x3F9E] =	sst lr;
	_ =	strace $0xD0000000  }
0x3: {  	_ = 	snop  }
0x4: {  	_ = 	snop  }
0x5: {  	_ = 	snop  }
0x6: {  	_ = 	snop  }
0x7: {  	_ = 	snop  }
__scs_overlays_trampoline_lowered:
0x8: {  	[smem:$0x3FAD] =	sst s0  }
0x9: {  	[smem:$0x3FAE] =	sst s1  }
0xa: {  	[smem:$0x3FAF] =	sst s2  }
0xb: {  	[smem:$0x3FB0] =	sst s3  }
0xc: {  	[smem:$0x3FB1] =	sst s4  }
0xd: {  	[smem:$0x3FB2] =	sst s5  }
0xe: {  	[smem:$0x3FB3] =	sst s6  }
0xf: {  	[smem:$0x3FB4] =	sst s7  }
0x10: {  	[smem:$0x3FB5] =	sst s8  }
0x11: {  	[smem:$0x3FB6] =	sst s9;
	s0 =	simm.s32 @!p0 $0x0  }
0x12: {  	s1 =	sld [smem:$0x3F9C];
	s0 =	simm.s32 @p0 $0x1  }
0x13: {  	[smem:$0x3FB7] =	sst s0;
	s0 =	simm.s32 @!p1 $0x0  }
0x14: {  	s2 =	sld [smem:$0x3F9B];
	s0 =	simm.s32 @p1 $0x1  }
0x15: {  	[smem:$0x3FB8] =	sst s0;
	s0 =	simm.s32 @!p2 $0x0  }
0x16: {  	s3 =	sld [smem:$0x3FDB];
	s0 =	simm.s32 @p2 $0x1  }
0x17: {  	s4 =	simm.s32 $0x1BF5;
	[smem:$0x3FBA] =	sst s0  }
0x18: {  	s0 =	sld [smem:$0x3F9D];
	_ =	swait.ge [sflag:s4], $0x0  }
0x19: {  	s7 =	sld [smem:$0x3F9E]  }
0x1a: {  	s8 =	sadd.s32 $0xFFFFE003, lr  }
0x1b: {  	s9 =	sadd.s32 $0xFFFFFEF7, lr;
	s5 =	simm.s32 $0xFFFFFFFF;
	p2 =	slt.u32 s8, $0xFFFFF086  }
0x1c: {  	p1 =	slt.u32 s9, $0xF7A;
	s5 =	simm.s32 @!p2 $0x0  }
0x1d: {  	s5 =	simm.s32 @p1 $0x1;
	p0 =	seq.s32 s7, s2  }
0x1e: {  	s7 =	smul.u32 @!p0 $0xF7A, s2;
	p2 =	seq.s32 @!p0 s5, $0x0  }
0x1f: {  	s9 =	smul.u32 $0xF7A, s1;
	s8 =	simm.s32 @!p0 $0x1BF5;
	p2 =	por !p2, p0  }
0x20: {  	[sflag:s8] =	ssyncset.s32 @!p0 $0xFFFFF086;
	s6 =	sadd.s32 @!p0 s3, s7;
	s7 =	simm.s32 @!p0 $0x108  }
0x21: {  	s3 =	sadd.s32 s3, s9;
	s6 =	sadd.s32 @!p0 $0x88, s6;
	s7 =	simm.s32 @p2 $0x1082  }
0x22: {  	[simem:s7], [sflag:s8] =	dma.local @!p0 [hbm:s6], $0xF7A  }
0x23: {  	s9 =	sor.u32 $0xD0000000, s2;
	s6 =	simm.s32 $0x108;
	_ =	swait.ge @!p0 [sflag:s8], $0x0  }
0x24: {  	s3 =	sadd.s32 $0x88, s3;
	s6 =	simm.s32 @!p1 $0x1082;
	[sflag:s4] =	ssyncset.s32 $0xFFFFF086  }
0x25: {  	[simem:s6], [sflag:s4] =	dma.local [hbm:s3], $0xF7A  }
0x26: {  	[smem:$0x3F9E] =	sst s1;
	(tag) =	ssettag s2;
	_ =	strace s9  }
0x27: {  	s1 =	sld [smem:$0x3FAE]  }
0x28: {  	s2 =	sld [smem:$0x3FAF]  }
0x29: {  	s4 =	sld [smem:$0x3FB1]  }
0x2a: {  	p0 =	seq.s32 s5, $0x0;
	s5 =	sld [smem:$0x3FB2]  }
0x2b: {  	s6 =	sld [smem:$0x3FB3]  }
0x2c: {  	s7 =	sld [smem:$0x3FB4]  }
0x2d: {  	s3 =	simm.s32 $0x108;
	s8 =	sld [smem:$0x3FB5]  }
0x2e: {  	s3 =	simm.s32 @!p0 $0x1082;
	s9 =	sld [smem:$0x3FB6]  }
0x2f: {  	lr =	sadd.s32 s0, s3;
	s0 =	sld [smem:$0x3FAD]  }
0x30: {  	s3 =	sld [smem:$0x3FB0]  }
0x31: {  	[smem:$0x3FB9] =	sst s10  }
0x32: {  	s10 =	sld [smem:$0x3FB7];
	_ =	sdelay $0x3  }
0x33: {  	p0 =	seq.s32 s10, $0x1;
	s10 =	sld [smem:$0x3FB9];
	_ =	sdelay $0x3  }
0x34: {  	[smem:$0x3FB9] =	sst s10  }
0x35: {  	s10 =	sld [smem:$0x3FB8];
	_ =	sdelay $0x3  }
0x36: {  	p1 =	seq.s32 s10, $0x1;
	s10 =	sld [smem:$0x3FB9];
	_ =	sdelay $0x3  }
0x37: {  	[smem:$0x3FB9] =	sst s10  }
0x38: {  	s10 =	sld [smem:$0x3FBA]  }
0x39: {  	_ = 	snop;
	(pc) =	sbr.ind lr, $3  }
0x3a: {  	_ = 	snop  }
0x3b: {  	_ = 	snop  }
0x3c: {  	p2 =	seq.s32 s10, $0x1;
	s10 =	sld [smem:$0x3FB9]  }
0x3d: {  	_ =	shalt  }
0x3e: {  	_ =	shalt  }
0x3f: {  	_ =	shalt  }
0x40: {  	_ =	shalt  }
0x41: {  	_ =	shalt  }
0x42: {  	_ =	shalt  }
0x43: {  	_ =	shalt  }
0x44: {  	_ =	shalt  }
0x45: {  	_ =	shalt  }
0x46: {  	_ =	shalt  }
0x47: {  	_ =	shalt  }
0x48: {  	_ =	shalt  }
0x49: {  	_ =	shalt  }
0x4a: {  	_ =	shalt  }
0x4b: {  	_ =	shalt  }
0x4c: {  	_ =	shalt  }
0x4d: {  	_ =	shalt  }
0x4e: {  	_ =	shalt  }
0x4f: {  	_ =	shalt  }
0x50: {  	_ =	shalt  }
0x51: {  	_ =	shalt  }
0x52: {  	_ =	shalt  }
0x53: {  	_ =	shalt  }
0x54: {  	_ =	shalt  }
0x55: {  	_ =	shalt  }
0x56: {  	_ =	shalt  }
0x57: {  	_ =	shalt  }
0x58: {  	_ =	shalt  }
0x59: {  	_ =	shalt  }
0x5a: {  	_ =	shalt  }
0x5b: {  	_ =	shalt  }
0x5c: {  	_ =	shalt  }
0x5d: {  	_ =	shalt  }
0x5e: {  	_ =	shalt  }
0x5f: {  	_ =	shalt  }
0x60: {  	_ =	shalt  }
0x61: {  	_ =	shalt  }
0x62: {  	_ =	shalt  }
0x63: {  	_ =	shalt  }
0x64: {  	_ =	shalt  }
0x65: {  	_ =	shalt  }
0x66: {  	_ =	shalt  }
0x67: {  	_ =	shalt  }
0x68: {  	_ =	shalt  }
0x69: {  	_ =	shalt  }
0x6a: {  	_ =	shalt  }
0x6b: {  	_ =	shalt  }
0x6c: {  	_ =	shalt  }
0x6d: {  	_ =	shalt  }
0x6e: {  	_ =	shalt  }
0x6f: {  	_ =	shalt  }
0x70: {  	_ =	shalt  }
0x71: {  	_ =	shalt  }
0x72: {  	_ =	shalt  }
0x73: {  	_ =	shalt  }
0x74: {  	_ =	shalt  }
0x75: {  	_ =	shalt  }
0x76: {  	_ =	shalt  }
0x77: {  	_ =	shalt  }
0x78: {  	_ =	shalt  }
0x79: {  	_ =	shalt  }
0x7a: {  	_ =	shalt  }
0x7b: {  	_ =	shalt  }
0x7c: {  	_ =	shalt  }
0x7d: {  	_ =	shalt  }
0x7e: {  	_ =	shalt  }
0x7f: {  	_ =	shalt  }
0x80: {  	_ =	shalt  }
0x81: {  	_ =	shalt  }
0x82: {  	_ =	shalt  }
0x83: {  	_ =	shalt  }
0x84: {  	_ =	shalt  }
0x85: {  	_ =	shalt  }
0x86: {  	_ =	shalt  }
0x87: {  	_ =	shalt  }
.Lfunc_end0:
.L_simem_size_0:
called_computation_lowered:
.L_overlay_start_0:
0x88: {  	s2 =	sld [smem:$0x3FD9]  }
0x89: {  	s3 =	sld [smem:$0x3FFE];
	_ =	sdelay $0x1  }
0x8a: {  	s1 =	srdreg.scid  }
0x8b: {  	s0 =	sand.u32 $0x1, s1  }
0x8c: {  	s15 =	sshll.u32 s0, $0xA;
	s2 =	sadd.s32 s3, s2  }
0x8d: {  	s2 =	sadd.s32 s2, s15  }
0x8e: {  	[smem:$0x3FC5] =	sst s2  }
0x8f: {  	_ = 	snop  }
0x90: {  	s2 =	sld [smem:$0x3FD0];
	_ =	sdelay $0x2  }
0x91: {  	s4 =	simm.s32 $0xA;
	s5 =	simm.s32 $0x10;
	s16 =	sld [smem:$0x3FC8]  }
0x92: {  	[smem:s5], [sflag:s4] =	dma.local [hbm:s2], $0x1  }
0x93: {  	_ =	swait.eq [sflag:s4], $0x1  }
0x94: {  	[sflag:s4] =	ssyncset.done $0x0  }
0x95: {  	s17 =	sld [smem:$0x11];
	[sflag:s4] =	ssyncadd.s32 $0xFFFFFFFF  }
0x96: {  	s18 =	sld [smem:$0x13];
	(tm) =	ssettm $0x1  }
0x97: {  	s19 =	sld [smem:$0x3FFB];
	_ =	sdelay $0x3  }
0x98: {  	_ =	strace s19  }
0x99: {  	s5 =	sld [smem:$0x3FFC];
	_ =	sdelay $0x3  }
0x9a: {  	_ =	strace s5  }
0x9b: {  	s5 =	sld [smem:$0x3FFD];
	_ =	sdelay $0x3  }
0x9c: {  	_ =	strace s5  }
0x9d: {  	_ =	strace $0x8FFFFFFF  }
0x9e: {  	s20 =	sld [smem:$0x3FDB];
	_ =	sdelay $0x1  }
0x9f: {  	s6 =	simm.s32 $_scs_section_size  }
0xa0: {  	s7 =	simm.s32 $_size__tile_overlayer_lowered;
	s8 =	simm.s32 $_tile_overlayer_lowered  }
0xa1: {  	s23 =	simm.s32 $0x1BFF;
	s22 =	sshll.u32 s8, $0x1;
	s5 =	sadd.s32 s6, s20  }
0xa2: {  	s9 =	simm.s32 $0x0;
	s21 =	sshll.u32 s7, $0x1;
	s7 =	sadd.s32 s22, s5  }
0xa3: {  	[timem:s9], [sflag:s23] =	dma.local [hbm:s7], s21  }
0xa4: {  	_ =	swait.ge [sflag:s23], s21  }
0xa5: {  	s6 =	ssub.s32 $0x0, s21;
	[sflag:s23] =	ssyncset.done $0x0  }
0xa6: {  	[sflag:s23] =	ssyncadd.s32 s6;
	_ =	sdelay $0x1  }
0xa7: {  	s24 =	simm.s32 $0x1B8B  }
0xa8: {  	_ =	swait.ge [sflag:s24], $0x1  }
0xa9: {  	[sflag:s24] =	ssyncset.done $0x0  }
0xaa: {  	s25 =	simm.s32 $0x1B8E;
	[sflag:s24] =	ssyncadd.s32 $0xFFFFFFFF  }
0xab: {  	s26 =	simm.s32 $execute0_lowered;
	[smem:$0x3FD2] =	sst s25  }
0xac: {  	s6 =	sshll.u32 s26, $0x1;
	_ =	strace $0x80000046;
	[dreg:$0x1] =	wrdreg $0xFFFFFFFF  }
0xad: {  	s28 =	simm.s32 $_size_execute0_lowered;
	s5 =	sadd.s32 s5, s6;
	[dreg:$0x0] =	wrdreg $0x0  }
0xae: {  	s6 =	sshll.u32 s28, $0x1;
	[dreg:$0x2] =	wrdreg s5  }
0xaf: {  	[dreg:$0x3] =	wrdreg s6  }
0xb0: {  	[dreg:$0x4] =	wrdreg $0xC0  }
0xb1: {  	_ =	task [dreg:s9], $0x5FFFF  }
0xb2: {  	[dreg:$0x1] =	wrdreg $0xFFFFFFFF  }
0xb3: {  	[dreg:$0x0] =	wrdreg $0x60  }
0xb4: {  	[dreg:$0x2] =	wrdreg s16  }
0xb5: {  	[dreg:$0x3] =	wrdreg s18  }
0xb6: {  	[dreg:$0x4] =	wrdreg s17  }
0xb7: {  	[dreg:$0x5] =	wrdreg $0x9  }
0xb8: {  	_ =	task.clear_ibuf [dreg:s9], $0x6FFFF;
	_ =	strace $0x90000046  }
0xb9: {  	s29 =	simm.s32 $0x9;
	_ =	strace $0x80000048  }
0xba: {  	_ =	swait.ge [sflag:s29], $0x1  }
0xbb: {  	[sflag:s29] =	ssyncadd.s32 $0xFFFFFFFF  }
0xbc: {  	_ =	strace $0x90000048  }
0xbd: {  	_ =	sfence  }
0xbe: {  	s30 =	sld [smem:$0x0];
	_ =	sdelay $0x2  }
0xbf: {  	s31 =	sshll.u32 s1, $0xD;
	s1 =	sshrl.u32 s1, $0x2  }
0xc0: {  	s3 =	sand.u32 $0x4000, s31;
	s1 =	sadd.s32 s1, s30  }
0xc1: {  	s0 =	sor.u32 s3, s0;
	s1 =	sshll.u32 s1, $0x11  }
0xc2: {  	s0 =	sor.u32 s1, s0  }
0xc3: {  	s0 =	sadd.s32 $0x8F2B, s0  }
0xc4: {  	[sflag:s0] =	ssyncadd.remote.s32 $0x1  }
0xc5: {  	_ =	sfence.sel $0xFFFF  }
0xc6: {  	[dreg:$0x0] =	wrdreg $0xFFFFFFFF;
	(pc) =	sbr.abs _section_cstart, $3  }
0xc7: {  	[dreg:$0x1] =	wrdreg $0xFFFFFFFF  }
0xc8: {  	_ =	task.clear_ibuf [dreg:s9], $0x2FFFF;
	_ =	strace $0x9FFFFFFF  }
0xc9: {  	(tm) =	ssettm $0x7FFFFFFF  }
tec
execute0_lowered:
.L_overlay_start_1:
0x0: {  	(tag) =	ssettag $0x1  }
0x1: {  	s1 =	rddreg [dreg:$0x0]  }
0x2: {  	s2 =	rddreg [dreg:$0x1]  }
0x3: {  	s0 =	srdreg.scid;
	s3 =	rddreg [dreg:$0x2];
	s5 =	simm.s32 $0x0  }
0x4: {  	s4 =	stileid.u32;
	s9 =	simm.s32 $0x880;
	s10 =	simm.s32 $0x1080  }
0x5: {  	s11 =	simm.s32 $0x1880;
	s12 =	simm.s32 $0x2080;
	s13 =	simm.s32 $0x2880  }
0x6: {  	s14 =	simm.s32 $0x3080;
	s15 =	simm.s32 $0x3880;
	s16 =	simm.s32 $0x4080  }
0x7: {  	s17 =	simm.s32 $0x4880;
	s18 =	simm.s32 $0x5080;
	s19 =	simm.s32 $0x5880  }
0x8: {  	s20 =	simm.s32 $0x6080;
	s21 =	simm.s32 $0x6880;
	s22 =	simm.s32 $0x7080  }
0x9: {  	s23 =	simm.s32 $0x7880;
	s24 =	simm.s32 $0x1;
	s6 =	sand.u32 $0x1, s0  }
0xa: {  	s25 =	simm.s32 $0x0;
	s0 =	rddreg [dreg:$0x3];
	s7 =	ssub.s32 $0x2, s6  }
0xb: {  	v2 =	vlaneseq.u32;
	[smem:$0x7FF] =	sst s5;
	s31 =	sshll.u32 s4, $0x9;
	s8 =	sshrl.u32 s7, $0x1  }
0xc: {  	vm0 =	vmmov $0xffff;
	v1 =	vshrl.u32 v2, $0x3;
	s6 =	sshll.u32 s6, $0x8;
	_ =	strace $0x80000047;
	s7 =	ssub.s32 s7, s8  }
0xd: {  	v0 =	vand.u32 $0x7, v2;
	v2 =	vor.u32 $0x8, v2;
	v1 =	vmul.u32 $0x8, v1;
	s6 =	sor.u32 s6, s31;
	s8 =	simm.s32 $0x2;
	s7 =	smax.u32 s7, $0x1  }
.LBB2_1:
0xe: {  	p0 =	por $0x1, $0x1;
	s28 =	simm.s32 $0x0  }
.LBB2_2:
0xf: {  	s26 =	sor.u32 s6, s28  }
0x10: {  	s28 =	sshrl.u32 s26, $0x3  }
0x11: {  	s28 =	sadd.s32 s2, s28  }
0x12: {  	[tilespmem:s5], [sflag:$0x2] =	stream.linear.gather [hbm4b:s28+s5], $0x80, $0x38;
	[tilespmem:$0x8080] =	vst v63  }
0x13: {  	_ =	swait.ge [sflag:s8], $0x80  }
0x14: {  	[sflag:s8] =	ssyncset.done $0x0  }
0x15: {  	[sflag:s8] =	ssyncadd.s32 $0xFFFFFF80  }
0x16: {  	v3 =	vld [tilespmem:$0x0];
	_ =	sdelay $0x4  }
0x17: {  	v4 =	vshll.u32 v3, $0x1  }
0x18: {  	v3 =	vand.u32 $0x7, v3;
	v4 =	vand.u32 $0xFFFFFFF0, v4  }
0x19: {  	v3 =	vor.u32 v3, v4  }
0x1a: {  	v4 =	vperm.xlane v3, v0;
	_ =	sdelay $0x1  }
0x1b: {  	v3 =	vperm.xlane v3, v2;
	v4 =	vadd.s32 v1, v4;
	_ =	sdelay $0x1  }
0x1c: {  	v3 =	vadd.s32 v1, v3;
	_ =	sdelay $0x1  }
0x1d: {  	s28 =	simm.s32 $0x80  }
0x1e: {  	[tilespmem:s28], [sflag:$0x1] =	stream.indirect_vreg.gather [hbm4b:s1+s5], $0x80, v4, vm0, $0xb8;
	[tilespmem:$0x8080] =	vst v63  }
0x1f: {  	_ = 	snop  }
0x20: {  	[tilespmem:s9], [sflag:$0x1] =	stream.indirect_vreg.gather [hbm4b:s1+s5], $0x80, v3, vm0, $0xb8;
	[tilespmem:$0x8080] =	vst v63  }
0x21: {  	v3 =	vld [tilespmem:$0x10];
	_ =	sdelay $0x4  }
0x22: {  	v57 =	vshll.u32 v3, $0x1  }
0x23: {  	v3 =	vand.u32 $0x7, v3;
	v4 =	vand.u32 $0xFFFFFFF0, v57  }
0x24: {  	v3 =	vor.u32 v3, v4  }
0x25: {  	v4 =	vperm.xlane v3, v0;
	_ =	sdelay $0x1  }
0x26: {  	v3 =	vperm.xlane v3, v2;
	v4 =	vadd.s32 v1, v4;
	_ =	sdelay $0x1  }
0x27: {  	v3 =	vadd.s32 v1, v3;
	_ =	sdelay $0x2  }
0x28: {  	[tilespmem:s10], [sflag:$0x1] =	stream.indirect_vreg.gather [hbm4b:s1+s5], $0x80, v4, vm0, $0xb8;
	[tilespmem:$0x8080] =	vst v63  }
0x29: {  	_ = 	snop  }
0x2a: {  	[tilespmem:s11], [sflag:$0x1] =	stream.indirect_vreg.gather [hbm4b:s1+s5], $0x80, v3, vm0, $0xb8;
	[tilespmem:$0x8080] =	vst v63  }
0x2b: {  	v3 =	vld [tilespmem:$0x20];
	_ =	sdelay $0x4  }
0x2c: {  	v58 =	vshll.u32 v3, $0x1  }
0x2d: {  	v3 =	vand.u32 $0x7, v3;
	v4 =	vand.u32 $0xFFFFFFF0, v58  }
0x2e: {  	v3 =	vor.u32 v3, v4  }
0x2f: {  	v4 =	vperm.xlane v3, v0;
	_ =	sdelay $0x1  }
0x30: {  	v3 =	vperm.xlane v3, v2;
	v4 =	vadd.s32 v1, v4;
	_ =	sdelay $0x1  }
0x31: {  	v3 =	vadd.s32 v1, v3;
	_ =	sdelay $0x2  }
0x32: {  	[tilespmem:s12], [sflag:$0x1] =	stream.indirect_vreg.gather [hbm4b:s1+s5], $0x80, v4, vm0, $0xb8;
	[tilespmem:$0x8080] =	vst v63  }
0x33: {  	_ = 	snop  }
0x34: {  	[tilespmem:s13], [sflag:$0x1] =	stream.indirect_vreg.gather [hbm4b:s1+s5], $0x80, v3, vm0, $0xb8;
	[tilespmem:$0x8080] =	vst v63  }
0x35: {  	v3 =	vld [tilespmem:$0x30];
	_ =	sdelay $0x4  }
0x36: {  	v59 =	vshll.u32 v3, $0x1  }
0x37: {  	v3 =	vand.u32 $0x7, v3;
	v4 =	vand.u32 $0xFFFFFFF0, v59  }
0x38: {  	v3 =	vor.u32 v3, v4  }
0x39: {  	v4 =	vperm.xlane v3, v0;
	_ =	sdelay $0x1  }
0x3a: {  	v3 =	vperm.xlane v3, v2;
	v4 =	vadd.s32 v1, v4;
	_ =	sdelay $0x1  }
0x3b: {  	v3 =	vadd.s32 v1, v3;
	_ =	sdelay $0x2  }
0x3c: {  	[tilespmem:s14], [sflag:$0x1] =	stream.indirect_vreg.gather [hbm4b:s1+s5], $0x80, v4, vm0, $0xb8;
	[tilespmem:$0x8080] =	vst v63  }
0x3d: {  	_ = 	snop  }
0x3e: {  	[tilespmem:s15], [sflag:$0x1] =	stream.indirect_vreg.gather [hbm4b:s1+s5], $0x80, v3, vm0, $0xb8;
	[tilespmem:$0x8080] =	vst v63  }
0x3f: {  	v3 =	vld [tilespmem:$0x40];
	_ =	sdelay $0x4  }
0x40: {  	v60 =	vshll.u32 v3, $0x1  }
0x41: {  	v3 =	vand.u32 $0x7, v3;
	v4 =	vand.u32 $0xFFFFFFF0, v60  }
0x42: {  	v3 =	vor.u32 v3, v4  }
0x43: {  	v4 =	vperm.xlane v3, v0;
	_ =	sdelay $0x1  }
0x44: {  	v3 =	vperm.xlane v3, v2;
	v4 =	vadd.s32 v1, v4;
	_ =	sdelay $0x1  }
0x45: {  	v3 =	vadd.s32 v1, v3;
	_ =	sdelay $0x2  }
0x46: {  	[tilespmem:s16], [sflag:$0x1] =	stream.indirect_vreg.gather [hbm4b:s1+s5], $0x80, v4, vm0, $0xb8;
	[tilespmem:$0x8080] =	vst v63  }
0x47: {  	_ = 	snop  }
0x48: {  	[tilespmem:s17], [sflag:$0x1] =	stream.indirect_vreg.gather [hbm4b:s1+s5], $0x80, v3, vm0, $0xb8;
	[tilespmem:$0x8080] =	vst v63  }
0x49: {  	v3 =	vld [tilespmem:$0x50];
	_ =	sdelay $0x4  }
0x4a: {  	v61 =	vshll.u32 v3, $0x1  }
0x4b: {  	v3 =	vand.u32 $0x7, v3;
	v4 =	vand.u32 $0xFFFFFFF0, v61  }
0x4c: {  	v3 =	vor.u32 v3, v4  }
0x4d: {  	v4 =	vperm.xlane v3, v0;
	_ =	sdelay $0x1  }
0x4e: {  	v3 =	vperm.xlane v3, v2;
	v4 =	vadd.s32 v1, v4;
	_ =	sdelay $0x1  }
0x4f: {  	v3 =	vadd.s32 v1, v3;
	_ =	sdelay $0x2  }
0x50: {  	[tilespmem:s18], [sflag:$0x1] =	stream.indirect_vreg.gather [hbm4b:s1+s5], $0x80, v4, vm0, $0xb8;
	[tilespmem:$0x8080] =	vst v63  }
0x51: {  	_ = 	snop  }
0x52: {  	[tilespmem:s19], [sflag:$0x1] =	stream.indirect_vreg.gather [hbm4b:s1+s5], $0x80, v3, vm0, $0xb8;
	[tilespmem:$0x8080] =	vst v63  }
0x53: {  	v3 =	vld [tilespmem:$0x60];
	_ =	sdelay $0x4  }
0x54: {  	v62 =	vshll.u32 v3, $0x1  }
0x55: {  	v3 =	vand.u32 $0x7, v3;
	v4 =	vand.u32 $0xFFFFFFF0, v62  }
0x56: {  	v3 =	vor.u32 v3, v4  }
0x57: {  	v4 =	vperm.xlane v3, v0;
	_ =	sdelay $0x1  }
0x58: {  	v3 =	vperm.xlane v3, v2;
	v4 =	vadd.s32 v1, v4;
	_ =	sdelay $0x1  }
0x59: {  	v3 =	vadd.s32 v1, v3;
	_ =	sdelay $0x2  }
0x5a: {  	[tilespmem:s20], [sflag:$0x1] =	stream.indirect_vreg.gather [hbm4b:s1+s5], $0x80, v4, vm0, $0xb8;
	[tilespmem:$0x8080] =	vst v63  }
0x5b: {  	_ = 	snop  }
0x5c: {  	[tilespmem:s21], [sflag:$0x1] =	stream.indirect_vreg.gather [hbm4b:s1+s5], $0x80, v3, vm0, $0xb8;
	[tilespmem:$0x8080] =	vst v63  }
0x5d: {  	v3 =	vld [tilespmem:$0x70];
	_ =	sdelay $0x4  }
0x5e: {  	v63 =	vshll.u32 v3, $0x1  }
0x5f: {  	v3 =	vand.u32 $0x7, v3;
	v4 =	vand.u32 $0xFFFFFFF0, v63  }
0x60: {  	v3 =	vor.u32 v3, v4  }
0x61: {  	v4 =	vperm.xlane v3, v0;
	_ =	sdelay $0x1  }
0x62: {  	v3 =	vperm.xlane v3, v2;
	v4 =	vadd.s32 v1, v4;
	_ =	sdelay $0x1  }
0x63: {  	v3 =	vadd.s32 v1, v3;
	_ =	sdelay $0x2  }
0x64: {  	[tilespmem:s22], [sflag:$0x1] =	stream.indirect_vreg.gather [hbm4b:s1+s5], $0x80, v4, vm0, $0xb8;
	[tilespmem:$0x8080] =	vst v63  }
0x65: {  	_ = 	snop  }
0x66: {  	[tilespmem:s23], [sflag:$0x1] =	stream.indirect_vreg.gather [hbm4b:s1+s5], $0x80, v3, vm0, $0xb8;
	[tilespmem:$0x8080] =	vst v63  }
0x67: {  	_ =	swait.ge [sflag:s24], $0x8000  }
0x68: {  	p1 =	por p0, p0;
	s26 =	sshll.u32 s26, $0x5;
	[sflag:s24] =	ssyncset.done $0x0  }
.Ltmp0:
0x69: {  	s26 =	sadd.s32 s3, s26;
	[sflag:s24] =	ssyncadd.s32 $0xFFFF8000;
	(pc) =	sbr.rel @p1 .LBB2_2-.Ltmp0, $4  }
0x6a: {  	[hbm4b:s26+s5] =	stream.linear.scatter [tilespmem:s28], [sflag:$0x2], $0x8000, $0x38;
	[tilespmem:$0x8080] =	vst v63  }
0x6b: {  	_ =	swait.ge [sflag:s8], $0x8000  }
0x6c: {  	[sflag:s8] =	ssyncset.done $0x0  }
0x6d: {  	p0 =	por $0x0, $0x0;
	[sflag:s8] =	ssyncadd.s32 $0xFFFF8000  }
0x6e: {  	s25 =	sadd.s32 $0x1, s25  }
0x6f: {  	p0 =	sne.s32 s25, s7  }
.Ltmp1:
0x70: {  	_ = 	snop;
	(pc) =	sbr.rel @p0 .LBB2_1-.Ltmp1, $1  }
0x71: {  	_ =	sdelay $0x3  }
0x72: {  	_ =	sfence.sel $0x180000  }
0x73: {  	[bflag:$0x0] =	sbarrier.arrive $0xFFFF  }
0x74: {  	p0 =	sne.s32 s4, $0x0;
	_ =	strace $0x90000047  }
0x75: {  	s0 =	sadd.s32 @!p0 $0x100000, s0;
	[bflag:$0x2] =	sbarrier.arrive $0xFFFF  }
0x76: {  	[sflag:s0] =	ssyncadd.tile.s32 @!p0 $0x1;
	_ =	shalt  }
.Lfunc_end2:
_tile_overlayer_lowered:
.L_overlay_start_2:
0x77: {  	(tag) =	ssettag $0x2  }
0x78: {  	s0 =	rddreg [dreg:$0x0];
	s2 =	stileid.u32  }
0x79: {  	s1 =	rddreg [dreg:$0x1];
	p0 =	sne.s32 s2, $0x0  }
0x7a: {  	s3 =	rddreg [dreg:$0x2];
	[bflag:$0x3] =	sbarrier.arrive $0xFFFF;
	s2 =	simm.s32 @!p0 $0x1C02  }
0x7b: {  	[timem:s3], [sflag:s2] =	dma.local @!p0 [hbm:s0], s1  }
0x7c: {  	s0 =	simm.s32 @!p0 $0x2  }
0x7d: {  	_ =	swait.ge @!p0 [sflag:s0], s1  }
0x7e: {  	s1 =	ssub.s32 @!p0 $0x0, s1;
	[sflag:s0] =	ssyncset.done @!p0 $0x0  }
0x7f: {  	[sflag:s0] =	ssyncadd.s32 @!p0 s1  }
0x80: {  	[bflag:$0x3] =	sbarrier.arrive $0xFFFF  }
0x81: {  	_ =	shalt  }

// kernel: kernel.9.cloned.1.call-start
scs
__scs_entry_jumppad:
0x0: {  	(pc) =	sbr.rel $0x88, $3  }
0x1: {  	(tag) =	ssettag $0x0;
	lr =	simm.s32 $0x1  }
0x2: {  	[smem:$0x3F9E] =	sst lr;
	_ =	strace $0xD0000000  }
0x3: {  	_ = 	snop  }
0x4: {  	_ = 	snop  }
0x5: {  	_ = 	snop  }
0x6: {  	_ = 	snop  }
0x7: {  	_ = 	snop  }
__scs_overlays_trampoline_lowered:
0x8: {  	[smem:$0x3FAD] =	sst s0  }
0x9: {  	[smem:$0x3FAE] =	sst s1  }
0xa: {  	[smem:$0x3FAF] =	sst s2  }
0xb: {  	[smem:$0x3FB0] =	sst s3  }
0xc: {  	[smem:$0x3FB1] =	sst s4  }
0xd: {  	[smem:$0x3FB2] =	sst s5  }
0xe: {  	[smem:$0x3FB3] =	sst s6  }
0xf: {  	[smem:$0x3FB4] =	sst s7  }
0x10: {  	[smem:$0x3FB5] =	sst s8  }
0x11: {  	[smem:$0x3FB6] =	sst s9;
	s0 =	simm.s32 @!p0 $0x0  }
0x12: {  	s1 =	sld [smem:$0x3F9C];
	s0 =	simm.s32 @p0 $0x1  }
0x13: {  	[smem:$0x3FB7] =	sst s0;
	s0 =	simm.s32 @!p1 $0x0  }
0x14: {  	s2 =	sld [smem:$0x3F9B];
	s0 =	simm.s32 @p1 $0x1  }
0x15: {  	[smem:$0x3FB8] =	sst s0;
	s0 =	simm.s32 @!p2 $0x0  }
0x16: {  	s3 =	sld [smem:$0x3FDB];
	s0 =	simm.s32 @p2 $0x1  }
0x17: {  	s4 =	simm.s32 $0x1BF5;
	[smem:$0x3FBA] =	sst s0  }
0x18: {  	s0 =	sld [smem:$0x3F9D];
	_ =	swait.ge [sflag:s4], $0x0  }
0x19: {  	s7 =	sld [smem:$0x3F9E]  }
0x1a: {  	s8 =	sadd.s32 $0xFFFFE003, lr  }
0x1b: {  	s9 =	sadd.s32 $0xFFFFFEF7, lr;
	s5 =	simm.s32 $0xFFFFFFFF;
	p2 =	slt.u32 s8, $0xFFFFF086  }
0x1c: {  	p1 =	slt.u32 s9, $0xF7A;
	s5 =	simm.s32 @!p2 $0x0  }
0x1d: {  	s5 =	simm.s32 @p1 $0x1;
	p0 =	seq.s32 s7, s2  }
0x1e: {  	s7 =	smul.u32 @!p0 $0xF7A, s2;
	p2 =	seq.s32 @!p0 s5, $0x0  }
0x1f: {  	s9 =	smul.u32 $0xF7A, s1;
	s8 =	simm.s32 @!p0 $0x1BF5;
	p2 =	por !p2, p0  }
0x20: {  	[sflag:s8] =	ssyncset.s32 @!p0 $0xFFFFF086;
	s6 =	sadd.s32 @!p0 s3, s7;
	s7 =	simm.s32 @!p0 $0x108  }
0x21: {  	s3 =	sadd.s32 s3, s9;
	s6 =	sadd.s32 @!p0 $0x88, s6;
	s7 =	simm.s32 @p2 $0x1082  }
0x22: {  	[simem:s7], [sflag:s8] =	dma.local @!p0 [hbm:s6], $0xF7A  }
0x23: {  	s9 =	sor.u32 $0xD0000000, s2;
	s6 =	simm.s32 $0x108;
	_ =	swait.ge @!p0 [sflag:s8], $0x0  }
0x24: {  	s3 =	sadd.s32 $0x88, s3;
	s6 =	simm.s32 @!p1 $0x1082;
	[sflag:s4] =	ssyncset.s32 $0xFFFFF086  }
0x25: {  	[simem:s6], [sflag:s4] =	dma.local [hbm:s3], $0xF7A  }
0x26: {  	[smem:$0x3F9E] =	sst s1;
	(tag) =	ssettag s2;
	_ =	strace s9  }
0x27: {  	s1 =	sld [smem:$0x3FAE]  }
0x28: {  	s2 =	sld [smem:$0x3FAF]  }
0x29: {  	s4 =	sld [smem:$0x3FB1]  }
0x2a: {  	p0 =	seq.s32 s5, $0x0;
	s5 =	sld [smem:$0x3FB2]  }
0x2b: {  	s6 =	sld [smem:$0x3FB3]  }
0x2c: {  	s7 =	sld [smem:$0x3FB4]  }
0x2d: {  	s3 =	simm.s32 $0x108;
	s8 =	sld [smem:$0x3FB5]  }
0x2e: {  	s3 =	simm.s32 @!p0 $0x1082;
	s9 =	sld [smem:$0x3FB6]  }
0x2f: {  	lr =	sadd.s32 s0, s3;
	s0 =	sld [smem:$0x3FAD]  }
0x30: {  	s3 =	sld [smem:$0x3FB0]  }
0x31: {  	[smem:$0x3FB9] =	sst s10  }
0x32: {  	s10 =	sld [smem:$0x3FB7];
	_ =	sdelay $0x3  }
0x33: {  	p0 =	seq.s32 s10, $0x1;
	s10 =	sld [smem:$0x3FB9];
	_ =	sdelay $0x3  }
0x34: {  	[smem:$0x3FB9] =	sst s10  }
0x35: {  	s10 =	sld [smem:$0x3FB8];
	_ =	sdelay $0x3  }
0x36: {  	p1 =	seq.s32 s10, $0x1;
	s10 =	sld [smem:$0x3FB9];
	_ =	sdelay $0x3  }
0x37: {  	[smem:$0x3FB9] =	sst s10  }
0x38: {  	s10 =	sld [smem:$0x3FBA]  }
0x39: {  	_ = 	snop;
	(pc) =	sbr.ind lr, $3  }
0x3a: {  	_ = 	snop  }
0x3b: {  	_ = 	snop  }
0x3c: {  	p2 =	seq.s32 s10, $0x1;
	s10 =	sld [smem:$0x3FB9]  }
0x3d: {  	_ =	shalt  }
0x3e: {  	_ =	shalt  }
0x3f: {  	_ =	shalt  }
0x40: {  	_ =	shalt  }
0x41: {  	_ =	shalt  }
0x42: {  	_ =	shalt  }
0x43: {  	_ =	shalt  }
0x44: {  	_ =	shalt  }
0x45: {  	_ =	shalt  }
0x46: {  	_ =	shalt  }
0x47: {  	_ =	shalt  }
0x48: {  	_ =	shalt  }
0x49: {  	_ =	shalt  }
0x4a: {  	_ =	shalt  }
0x4b: {  	_ =	shalt  }
0x4c: {  	_ =	shalt  }
0x4d: {  	_ =	shalt  }
0x4e: {  	_ =	shalt  }
0x4f: {  	_ =	shalt  }
0x50: {  	_ =	shalt  }
0x51: {  	_ =	shalt  }
0x52: {  	_ =	shalt  }
0x53: {  	_ =	shalt  }
0x54: {  	_ =	shalt  }
0x55: {  	_ =	shalt  }
0x56: {  	_ =	shalt  }
0x57: {  	_ =	shalt  }
0x58: {  	_ =	shalt  }
0x59: {  	_ =	shalt  }
0x5a: {  	_ =	shalt  }
0x5b: {  	_ =	shalt  }
0x5c: {  	_ =	shalt  }
0x5d: {  	_ =	shalt  }
0x5e: {  	_ =	shalt  }
0x5f: {  	_ =	shalt  }
0x60: {  	_ =	shalt  }
0x61: {  	_ =	shalt  }
0x62: {  	_ =	shalt  }
0x63: {  	_ =	shalt  }
0x64: {  	_ =	shalt  }
0x65: {  	_ =	shalt  }
0x66: {  	_ =	shalt  }
0x67: {  	_ =	shalt  }
0x68: {  	_ =	shalt  }
0x69: {  	_ =	shalt  }
0x6a: {  	_ =	shalt  }
0x6b: {  	_ =	shalt  }
0x6c: {  	_ =	shalt  }
0x6d: {  	_ =	shalt  }
0x6e: {  	_ =	shalt  }
0x6f: {  	_ =	shalt  }
0x70: {  	_ =	shalt  }
0x71: {  	_ =	shalt  }
0x72: {  	_ =	shalt  }
0x73: {  	_ =	shalt  }
0x74: {  	_ =	shalt  }
0x75: {  	_ =	shalt  }
0x76: {  	_ =	shalt  }
0x77: {  	_ =	shalt  }
0x78: {  	_ =	shalt  }
0x79: {  	_ =	shalt  }
0x7a: {  	_ =	shalt  }
0x7b: {  	_ =	shalt  }
0x7c: {  	_ =	shalt  }
0x7d: {  	_ =	shalt  }
0x7e: {  	_ =	shalt  }
0x7f: {  	_ =	shalt  }
0x80: {  	_ =	shalt  }
0x81: {  	_ =	shalt  }
0x82: {  	_ =	shalt  }
0x83: {  	_ =	shalt  }
0x84: {  	_ =	shalt  }
0x85: {  	_ =	shalt  }
0x86: {  	_ =	shalt  }
0x87: {  	_ =	shalt  }
.Lfunc_end0:
.L_simem_size_0:
called_computation.1_lowered:
.L_overlay_start_0:
0x88: {  	s2 =	sld [smem:$0x3FD9]  }
0x89: {  	s3 =	sld [smem:$0x3FFE];
	_ =	sdelay $0x1  }
0x8a: {  	s1 =	srdreg.scid  }
0x8b: {  	s0 =	sand.u32 $0x1, s1  }
0x8c: {  	s15 =	sshll.u32 s0, $0xA;
	s2 =	sadd.s32 s3, s2  }
0x8d: {  	s2 =	sadd.s32 s2, s15  }
0x8e: {  	[smem:$0x3FC5] =	sst s2  }
0x8f: {  	_ = 	snop  }
0x90: {  	s2 =	sld [smem:$0x3FD0];
	_ =	sdelay $0x2  }
0x91: {  	s4 =	simm.s32 $0xA;
	s5 =	simm.s32 $0x10;
	s16 =	sld [smem:$0x3FC7]  }
0x92: {  	[smem:s5], [sflag:s4] =	dma.local [hbm:s2], $0x1  }
0x93: {  	_ =	swait.eq [sflag:s4], $0x1  }
0x94: {  	[sflag:s4] =	ssyncset.done $0x0  }
0x95: {  	s17 =	sld [smem:$0x14];
	[sflag:s4] =	ssyncadd.s32 $0xFFFFFFFF  }
0x96: {  	s18 =	sld [smem:$0x16];
	(tm) =	ssettm $0x1  }
0x97: {  	s19 =	sld [smem:$0x3FFB];
	_ =	sdelay $0x3  }
0x98: {  	_ =	strace s19  }
0x99: {  	s5 =	sld [smem:$0x3FFC];
	_ =	sdelay $0x3  }
0x9a: {  	_ =	strace s5  }
0x9b: {  	s5 =	sld [smem:$0x3FFD];
	_ =	sdelay $0x3  }
0x9c: {  	_ =	strace s5  }
0x9d: {  	_ =	strace $0x8FFFFFFF  }
0x9e: {  	s20 =	sld [smem:$0x3FDB];
	_ =	sdelay $0x1  }
0x9f: {  	s6 =	simm.s32 $_scs_section_size  }
0xa0: {  	s7 =	simm.s32 $_size__tile_overlayer_lowered;
	s8 =	simm.s32 $_tile_overlayer_lowered  }
0xa1: {  	s23 =	simm.s32 $0x1BFF;
	s22 =	sshll.u32 s8, $0x1;
	s5 =	sadd.s32 s6, s20  }
0xa2: {  	s9 =	simm.s32 $0x0;
	s21 =	sshll.u32 s7, $0x1;
	s7 =	sadd.s32 s22, s5  }
0xa3: {  	[timem:s9], [sflag:s23] =	dma.local [hbm:s7], s21  }
0xa4: {  	_ =	swait.ge [sflag:s23], s21  }
0xa5: {  	s6 =	ssub.s32 $0x0, s21;
	[sflag:s23] =	ssyncset.done $0x0  }
0xa6: {  	[sflag:s23] =	ssyncadd.s32 s6;
	_ =	sdelay $0x1  }
0xa7: {  	s24 =	simm.s32 $0x1B8B  }
0xa8: {  	_ =	swait.ge [sflag:s24], $0x1  }
0xa9: {  	[sflag:s24] =	ssyncset.done $0x0  }
0xaa: {  	s25 =	simm.s32 $0x1B8E;
	[sflag:s24] =	ssyncadd.s32 $0xFFFFFFFF  }
0xab: {  	s26 =	simm.s32 $execute0_lowered;
	[smem:$0x3FD2] =	sst s25  }
0xac: {  	s6 =	sshll.u32 s26, $0x1;
	_ =	strace $0x80000049;
	[dreg:$0x1] =	wrdreg $0xFFFFFFFF  }
0xad: {  	s28 =	simm.s32 $_size_execute0_lowered;
	s5 =	sadd.s32 s5, s6;
	[dreg:$0x0] =	wrdreg $0x0  }
0xae: {  	s6 =	sshll.u32 s28, $0x1;
	[dreg:$0x2] =	wrdreg s5  }
0xaf: {  	[dreg:$0x3] =	wrdreg s6  }
0xb0: {  	[dreg:$0x4] =	wrdreg $0xC0  }
0xb1: {  	_ =	task [dreg:s9], $0x5FFFF  }
0xb2: {  	[dreg:$0x1] =	wrdreg $0xFFFFFFFF  }
0xb3: {  	[dreg:$0x0] =	wrdreg $0x60  }
0xb4: {  	[dreg:$0x2] =	wrdreg s16  }
0xb5: {  	[dreg:$0x3] =	wrdreg s18  }
0xb6: {  	[dreg:$0x4] =	wrdreg s17  }
0xb7: {  	[dreg:$0x5] =	wrdreg $0x9  }
0xb8: {  	_ =	task.clear_ibuf [dreg:s9], $0x6FFFF;
	_ =	strace $0x90000049  }
0xb9: {  	s29 =	simm.s32 $0x9;
	_ =	strace $0x8000004B  }
0xba: {  	_ =	swait.ge [sflag:s29], $0x1  }
0xbb: {  	[sflag:s29] =	ssyncadd.s32 $0xFFFFFFFF  }
0xbc: {  	_ =	strace $0x9000004B  }
0xbd: {  	_ =	sfence  }
0xbe: {  	s30 =	sld [smem:$0x0];
	_ =	sdelay $0x2  }
0xbf: {  	s31 =	sshll.u32 s1, $0xD;
	s1 =	sshrl.u32 s1, $0x2  }
0xc0: {  	s3 =	sand.u32 $0x4000, s31;
	s1 =	sadd.s32 s1, s30  }
0xc1: {  	s0 =	sor.u32 s3, s0;
	s1 =	sshll.u32 s1, $0x11  }
0xc2: {  	s0 =	sor.u32 s1, s0  }
0xc3: {  	s0 =	sadd.s32 $0x8F2B, s0  }
0xc4: {  	[sflag:s0] =	ssyncadd.remote.s32 $0x1  }
0xc5: {  	_ =	sfence.sel $0xFFFF  }
0xc6: {  	[dreg:$0x0] =	wrdreg $0xFFFFFFFF;
	(pc) =	sbr.abs _section_cstart, $3  }
0xc7: {  	[dreg:$0x1] =	wrdreg $0xFFFFFFFF  }
0xc8: {  	_ =	task.clear_ibuf [dreg:s9], $0x2FFFF;
	_ =	strace $0x9FFFFFFF  }
0xc9: {  	(tm) =	ssettm $0x7FFFFFFF  }
tec
execute0_lowered:
.L_overlay_start_1:
0x0: {  	(tag) =	ssettag $0x1  }
0x1: {  	s1 =	rddreg [dreg:$0x0]  }
0x2: {  	s2 =	rddreg [dreg:$0x1]  }
0x3: {  	s0 =	srdreg.scid;
	s3 =	rddreg [dreg:$0x2];
	s5 =	simm.s32 $0x0  }
0x4: {  	s4 =	stileid.u32;
	s9 =	simm.s32 $0x880;
	s10 =	simm.s32 $0x1080  }
0x5: {  	s11 =	simm.s32 $0x1880;
	s12 =	simm.s32 $0x2080;
	s13 =	simm.s32 $0x2880  }
0x6: {  	s14 =	simm.s32 $0x3080;
	s15 =	simm.s32 $0x3880;
	s16 =	simm.s32 $0x4080  }
0x7: {  	s17 =	simm.s32 $0x4880;
	s18 =	simm.s32 $0x5080;
	s19 =	simm.s32 $0x5880  }
0x8: {  	s20 =	simm.s32 $0x6080;
	s21 =	simm.s32 $0x6880;
	s22 =	simm.s32 $0x7080  }
0x9: {  	s23 =	simm.s32 $0x7880;
	s24 =	simm.s32 $0x1;
	s6 =	sand.u32 $0x1, s0  }
0xa: {  	s25 =	simm.s32 $0x0;
	s0 =	rddreg [dreg:$0x3];
	s7 =	ssub.s32 $0x2, s6  }
0xb: {  	v2 =	vlaneseq.u32;
	[smem:$0x7FF] =	sst s5;
	s31 =	sshll.u32 s4, $0x9;
	s8 =	sshrl.u32 s7, $0x1  }
0xc: {  	vm0 =	vmmov $0xffff;
	v1 =	vshrl.u32 v2, $0x3;
	s6 =	sshll.u32 s6, $0x8;
	_ =	strace $0x8000004A;
	s7 =	ssub.s32 s7, s8  }
0xd: {  	v0 =	vand.u32 $0x7, v2;
	v2 =	vor.u32 $0x8, v2;
	v1 =	vmul.u32 $0x8, v1;
	s6 =	sor.u32 s6, s31;
	s8 =	simm.s32 $0x2;
	s7 =	smax.u32 s7, $0x1  }
.LBB2_1:
0xe: {  	p0 =	por $0x1, $0x1;
	s28 =	simm.s32 $0x0  }
.LBB2_2:
0xf: {  	s26 =	sor.u32 s6, s28  }
0x10: {  	s28 =	sshrl.u32 s26, $0x3  }
0x11: {  	s28 =	sadd.s32 s2, s28  }
0x12: {  	[tilespmem:s5], [sflag:$0x2] =	stream.linear.gather [hbm4b:s28+s5], $0x80, $0x38;
	[tilespmem:$0x8080] =	vst v63  }
0x13: {  	_ =	swait.ge [sflag:s8], $0x80  }
0x14: {  	[sflag:s8] =	ssyncset.done $0x0  }
0x15: {  	[sflag:s8] =	ssyncadd.s32 $0xFFFFFF80  }
0x16: {  	v3 =	vld [tilespmem:$0x0];
	_ =	sdelay $0x4  }
0x17: {  	v4 =	vshll.u32 v3, $0x1  }
0x18: {  	v3 =	vand.u32 $0x7, v3;
	v4 =	vand.u32 $0xFFFFFFF0, v4  }
0x19: {  	v3 =	vor.u32 v3, v4  }
0x1a: {  	v4 =	vperm.xlane v3, v0;
	_ =	sdelay $0x1  }
0x1b: {  	v3 =	vperm.xlane v3, v2;
	v4 =	vadd.s32 v1, v4;
	_ =	sdelay $0x1  }
0x1c: {  	v3 =	vadd.s32 v1, v3;
	_ =	sdelay $0x1  }
0x1d: {  	s28 =	simm.s32 $0x80  }
0x1e: {  	[tilespmem:s28], [sflag:$0x1] =	stream.indirect_vreg.gather [hbm4b:s1+s5], $0x80, v4, vm0, $0xb8;
	[tilespmem:$0x8080] =	vst v63  }
0x1f: {  	_ = 	snop  }
0x20: {  	[tilespmem:s9], [sflag:$0x1] =	stream.indirect_vreg.gather [hbm4b:s1+s5], $0x80, v3, vm0, $0xb8;
	[tilespmem:$0x8080] =	vst v63  }
0x21: {  	v3 =	vld [tilespmem:$0x10];
	_ =	sdelay $0x4  }
0x22: {  	v57 =	vshll.u32 v3, $0x1  }
0x23: {  	v3 =	vand.u32 $0x7, v3;
	v4 =	vand.u32 $0xFFFFFFF0, v57  }
0x24: {  	v3 =	vor.u32 v3, v4  }
0x25: {  	v4 =	vperm.xlane v3, v0;
	_ =	sdelay $0x1  }
0x26: {  	v3 =	vperm.xlane v3, v2;
	v4 =	vadd.s32 v1, v4;
	_ =	sdelay $0x1  }
0x27: {  	v3 =	vadd.s32 v1, v3;
	_ =	sdelay $0x2  }
0x28: {  	[tilespmem:s10], [sflag:$0x1] =	stream.indirect_vreg.gather [hbm4b:s1+s5], $0x80, v4, vm0, $0xb8;
	[tilespmem:$0x8080] =	vst v63  }
0x29: {  	_ = 	snop  }
0x2a: {  	[tilespmem:s11], [sflag:$0x1] =	stream.indirect_vreg.gather [hbm4b:s1+s5], $0x80, v3, vm0, $0xb8;
	[tilespmem:$0x8080] =	vst v63  }
0x2b: {  	v3 =	vld [tilespmem:$0x20];
	_ =	sdelay $0x4  }
0x2c: {  	v58 =	vshll.u32 v3, $0x1  }
0x2d: {  	v3 =	vand.u32 $0x7, v3;
	v4 =	vand.u32 $0xFFFFFFF0, v58  }
0x2e: {  	v3 =	vor.u32 v3, v4  }
0x2f: {  	v4 =	vperm.xlane v3, v0;
	_ =	sdelay $0x1  }
0x30: {  	v3 =	vperm.xlane v3, v2;
	v4 =	vadd.s32 v1, v4;
	_ =	sdelay $0x1  }
0x31: {  	v3 =	vadd.s32 v1, v3;
	_ =	sdelay $0x2  }
0x32: {  	[tilespmem:s12], [sflag:$0x1] =	stream.indirect_vreg.gather [hbm4b:s1+s5], $0x80, v4, vm0, $0xb8;
	[tilespmem:$0x8080] =	vst v63  }
0x33: {  	_ = 	snop  }
0x34: {  	[tilespmem:s13], [sflag:$0x1] =	stream.indirect_vreg.gather [hbm4b:s1+s5], $0x80, v3, vm0, $0xb8;
	[tilespmem:$0x8080] =	vst v63  }
0x35: {  	v3 =	vld [tilespmem:$0x30];
	_ =	sdelay $0x4  }
0x36: {  	v59 =	vshll.u32 v3, $0x1  }
0x37: {  	v3 =	vand.u32 $0x7, v3;
	v4 =	vand.u32 $0xFFFFFFF0, v59  }
0x38: {  	v3 =	vor.u32 v3, v4  }
0x39: {  	v4 =	vperm.xlane v3, v0;
	_ =	sdelay $0x1  }
0x3a: {  	v3 =	vperm.xlane v3, v2;
	v4 =	vadd.s32 v1, v4;
	_ =	sdelay $0x1  }
0x3b: {  	v3 =	vadd.s32 v1, v3;
	_ =	sdelay $0x2  }
0x3c: {  	[tilespmem:s14], [sflag:$0x1] =	stream.indirect_vreg.gather [hbm4b:s1+s5], $0x80, v4, vm0, $0xb8;
	[tilespmem:$0x8080] =	vst v63  }
0x3d: {  	_ = 	snop  }
0x3e: {  	[tilespmem:s15], [sflag:$0x1] =	stream.indirect_vreg.gather [hbm4b:s1+s5], $0x80, v3, vm0, $0xb8;
	[tilespmem:$0x8080] =	vst v63  }
0x3f: {  	v3 =	vld [tilespmem:$0x40];
	_ =	sdelay $0x4  }
0x40: {  	v60 =	vshll.u32 v3, $0x1  }
0x41: {  	v3 =	vand.u32 $0x7, v3;
	v4 =	vand.u32 $0xFFFFFFF0, v60  }
0x42: {  	v3 =	vor.u32 v3, v4  }
0x43: {  	v4 =	vperm.xlane v3, v0;
	_ =	sdelay $0x1  }
0x44: {  	v3 =	vperm.xlane v3, v2;
	v4 =	vadd.s32 v1, v4;
	_ =	sdelay $0x1  }
0x45: {  	v3 =	vadd.s32 v1, v3;
	_ =	sdelay $0x2  }
0x46: {  	[tilespmem:s16], [sflag:$0x1] =	stream.indirect_vreg.gather [hbm4b:s1+s5], $0x80, v4, vm0, $0xb8;
	[tilespmem:$0x8080] =	vst v63  }
0x47: {  	_ = 	snop  }
0x48: {  	[tilespmem:s17], [sflag:$0x1] =	stream.indirect_vreg.gather [hbm4b:s1+s5], $0x80, v3, vm0, $0xb8;
	[tilespmem:$0x8080] =	vst v63  }
0x49: {  	v3 =	vld [tilespmem:$0x50];
	_ =	sdelay $0x4  }
0x4a: {  	v61 =	vshll.u32 v3, $0x1  }
0x4b: {  	v3 =	vand.u32 $0x7, v3;
	v4 =	vand.u32 $0xFFFFFFF0, v61  }
0x4c: {  	v3 =	vor.u32 v3, v4  }
0x4d: {  	v4 =	vperm.xlane v3, v0;
	_ =	sdelay $0x1  }
0x4e: {  	v3 =	vperm.xlane v3, v2;
	v4 =	vadd.s32 v1, v4;
	_ =	sdelay $0x1  }
0x4f: {  	v3 =	vadd.s32 v1, v3;
	_ =	sdelay $0x2  }
0x50: {  	[tilespmem:s18], [sflag:$0x1] =	stream.indirect_vreg.gather [hbm4b:s1+s5], $0x80, v4, vm0, $0xb8;
	[tilespmem:$0x8080] =	vst v63  }
0x51: {  	_ = 	snop  }
0x52: {  	[tilespmem:s19], [sflag:$0x1] =	stream.indirect_vreg.gather [hbm4b:s1+s5], $0x80, v3, vm0, $0xb8;
	[tilespmem:$0x8080] =	vst v63  }
0x53: {  	v3 =	vld [tilespmem:$0x60];
	_ =	sdelay $0x4  }
0x54: {  	v62 =	vshll.u32 v3, $0x1  }
0x55: {  	v3 =	vand.u32 $0x7, v3;
	v4 =	vand.u32 $0xFFFFFFF0, v62  }
0x56: {  	v3 =	vor.u32 v3, v4  }
0x57: {  	v4 =	vperm.xlane v3, v0;
	_ =	sdelay $0x1  }
0x58: {  	v3 =	vperm.xlane v3, v2;
	v4 =	vadd.s32 v1, v4;
	_ =	sdelay $0x1  }
0x59: {  	v3 =	vadd.s32 v1, v3;
	_ =	sdelay $0x2  }
0x5a: {  	[tilespmem:s20], [sflag:$0x1] =	stream.indirect_vreg.gather [hbm4b:s1+s5], $0x80, v4, vm0, $0xb8;
	[tilespmem:$0x8080] =	vst v63  }
0x5b: {  	_ = 	snop  }
0x5c: {  	[tilespmem:s21], [sflag:$0x1] =	stream.indirect_vreg.gather [hbm4b:s1+s5], $0x80, v3, vm0, $0xb8;
	[tilespmem:$0x8080] =	vst v63  }
0x5d: {  	v3 =	vld [tilespmem:$0x70];
	_ =	sdelay $0x4  }
0x5e: {  	v63 =	vshll.u32 v3, $0x1  }
0x5f: {  	v3 =	vand.u32 $0x7, v3;
	v4 =	vand.u32 $0xFFFFFFF0, v63  }
0x60: {  	v3 =	vor.u32 v3, v4  }
0x61: {  	v4 =	vperm.xlane v3, v0;
	_ =	sdelay $0x1  }
0x62: {  	v3 =	vperm.xlane v3, v2;
	v4 =	vadd.s32 v1, v4;
	_ =	sdelay $0x1  }
0x63: {  	v3 =	vadd.s32 v1, v3;
	_ =	sdelay $0x2  }
0x64: {  	[tilespmem:s22], [sflag:$0x1] =	stream.indirect_vreg.gather [hbm4b:s1+s5], $0x80, v4, vm0, $0xb8;
	[tilespmem:$0x8080] =	vst v63  }
0x65: {  	_ = 	snop  }
0x66: {  	[tilespmem:s23], [sflag:$0x1] =	stream.indirect_vreg.gather [hbm4b:s1+s5], $0x80, v3, vm0, $0xb8;
	[tilespmem:$0x8080] =	vst v63  }
0x67: {  	_ =	swait.ge [sflag:s24], $0x8000  }
0x68: {  	p1 =	por p0, p0;
	s26 =	sshll.u32 s26, $0x5;
	[sflag:s24] =	ssyncset.done $0x0  }
.Ltmp0:
0x69: {  	s26 =	sadd.s32 s3, s26;
	[sflag:s24] =	ssyncadd.s32 $0xFFFF8000;
	(pc) =	sbr.rel @p1 .LBB2_2-.Ltmp0, $4  }
0x6a: {  	[hbm4b:s26+s5] =	stream.linear.scatter [tilespmem:s28], [sflag:$0x2], $0x8000, $0x38;
	[tilespmem:$0x8080] =	vst v63  }
0x6b: {  	_ =	swait.ge [sflag:s8], $0x8000  }
0x6c: {  	[sflag:s8] =	ssyncset.done $0x0  }
0x6d: {  	p0 =	por $0x0, $0x0;
	[sflag:s8] =	ssyncadd.s32 $0xFFFF8000  }
0x6e: {  	s25 =	sadd.s32 $0x1, s25  }
0x6f: {  	p0 =	sne.s32 s25, s7  }
.Ltmp1:
0x70: {  	_ = 	snop;
	(pc) =	sbr.rel @p0 .LBB2_1-.Ltmp1, $1  }
0x71: {  	_ =	sdelay $0x3  }
0x72: {  	_ =	sfence.sel $0x180000  }
0x73: {  	[bflag:$0x0] =	sbarrier.arrive $0xFFFF  }
0x74: {  	p0 =	sne.s32 s4, $0x0;
	_ =	strace $0x9000004A  }
0x75: {  	s0 =	sadd.s32 @!p0 $0x100000, s0;
	[bflag:$0x2] =	sbarrier.arrive $0xFFFF  }
0x76: {  	[sflag:s0] =	ssyncadd.tile.s32 @!p0 $0x1;
	_ =	shalt  }
.Lfunc_end2:
_tile_overlayer_lowered:
.L_overlay_start_2:
0x77: {  	(tag) =	ssettag $0x2  }
0x78: {  	s0 =	rddreg [dreg:$0x0];
	s2 =	stileid.u32  }
0x79: {  	s1 =	rddreg [dreg:$0x1];
	p0 =	sne.s32 s2, $0x0  }
0x7a: {  	s3 =	rddreg [dreg:$0x2];
	[bflag:$0x3] =	sbarrier.arrive $0xFFFF;
	s2 =	simm.s32 @!p0 $0x1C02  }
0x7b: {  	[timem:s3], [sflag:s2] =	dma.local @!p0 [hbm:s0], s1  }
0x7c: {  	s0 =	simm.s32 @!p0 $0x2  }
0x7d: {  	_ =	swait.ge @!p0 [sflag:s0], s1  }
0x7e: {  	s1 =	ssub.s32 @!p0 $0x0, s1;
	[sflag:s0] =	ssyncset.done @!p0 $0x0  }
0x7f: {  	[sflag:s0] =	ssyncadd.s32 @!p0 s1  }
0x80: {  	[bflag:$0x3] =	sbarrier.arrive $0xFFFF  }
0x81: {  	_ =	shalt  }

</sc_bundles>
